<compile_context>
chip_gen: v7x
topology: tpu7x:2x2x1
jax: 0.10.2.dev20260603
libtpu: 0.0.44.dev20260713+nightly
codegen_flags: <defaults>
</compile_context>

<pallas_src>
import functools

import jax
import jax.numpy as jnp
from jax import lax
from jax.experimental import pallas as pl
from jax.experimental.pallas import tpu as pltpu
from jax.experimental.pallas import tpu_sc as plsc

K = 8192
D = 256
_NC = 2
_NS = 16
_NW = _NC * _NS
_SC_ROWS = 1024
_RPW = _SC_ROWS // _NW
_LANES = D // 16

_GATHER_DNUMS = lax.GatherDimensionNumbers(
    offset_dims=(), collapsed_slice_dims=(0,), start_index_map=(0,))


def _shuffle(v, idx):
    return lax.gather(v, idx[:, None], _GATHER_DNUMS, slice_sizes=(1,),
                      mode=lax.GatherScatterMode.PROMISE_IN_BOUNDS)


def _rsqrt_newton(s_vec):
    i = lax.bitcast_convert_type(s_vec, jnp.int32)
    y = lax.bitcast_convert_type(jnp.int32(0x5F3759DF) - (i >> 1), jnp.float32)
    for _ in range(3):
        y = y * (1.5 - 0.5 * s_vec * y * y)
    return jnp.minimum(y, 1e12)


def _transpose_hsum(accs, lanes):
    for s in range(4):
        bit = 1 << s
        take_lo = ((lanes >> s) & 1) == 0
        nxt = []
        for i in range(0, len(accs), 2):
            u, v = accs[i], accs[i + 1]
            u_sh = _shuffle(u, lanes ^ bit)
            v_sh = _shuffle(v, lanes ^ bit)
            nxt.append(jnp.where(take_lo, u, v_sh)
                       + jnp.where(take_lo, u_sh, v))
        accs = nxt
    return accs[0]


def _sc_body(x_hbm, o_hbm, buf, accmat, in_sem, out_sem):
    wid = lax.axis_index("s") * _NC + lax.axis_index("c")
    base = wid * _RPW
    lanes = lax.iota(jnp.int32, 16)

    pltpu.make_async_copy(
        x_hbm.at[pl.ds(base, _RPW)], buf, in_sem).start()
    pltpu.make_async_copy(
        x_hbm.at[pl.ds(base, _RPW)], buf, in_sem).wait()

    def group(g, carry):
        rb = g * 16

        def sumsq_row(k, carry):
            acc = jnp.zeros((16,), jnp.float32)
            for j in range(_LANES):
                v = buf[rb + k, pl.ds(j * 16, 16)]
                acc = acc + v * v
            accmat[k, :] = acc
            return carry

        lax.fori_loop(0, 16, sumsq_row, 0)
        accs = [accmat[k, :] for k in range(16)]
        y_vec = _rsqrt_newton(_transpose_hsum(accs, lanes))

        def scale_row(k, carry):
            yk = _shuffle(y_vec, jnp.full((16,), k, jnp.int32))
            for j in range(_LANES):
                buf[rb + k, pl.ds(j * 16, 16)] = (
                    buf[rb + k, pl.ds(j * 16, 16)] * yk)
            return carry

        lax.fori_loop(0, 16, scale_row, 0)
        return carry

    lax.fori_loop(0, _RPW // 16, group, 0)

    pltpu.make_async_copy(buf, o_hbm.at[pl.ds(base, _RPW)], out_sem).start()
    pltpu.make_async_copy(buf, o_hbm.at[pl.ds(base, _RPW)], out_sem).wait()


def _sc_part(x):
    mesh = plsc.VectorSubcoreMesh(core_axis_name="c", subcore_axis_name="s")
    f = functools.partial(
        pl.kernel,
        mesh=mesh,
        out_type=jax.ShapeDtypeStruct((_SC_ROWS, D), jnp.float32),
        scratch_types=[
            pltpu.VMEM((_RPW, D), jnp.float32),
            pltpu.VMEM((16, 16), jnp.float32),
            pltpu.SemaphoreType.DMA,
            pltpu.SemaphoreType.DMA,
        ],
    )(_sc_body)
    return f(x)


def kernel(prototypes):
    return _sc_part(prototypes[:_SC_ROWS])

# --- scband reference (transcript-rebuilt; emitter-appended) ---
"""Pipeline reference for scband-emaprototype-library-51711406244285 (READ-ONLY COPY).

The authoritative reference and input builder live on the scoring server;
editing this copy changes nothing except your own understanding.
"""

import jax, jax.numpy as jnp
import numpy as np

K = 8192
D = 256

def setup_inputs(seed: int = 0) -> dict:
    key = jax.random.key(seed)
    # prototypes parameter: xavier_uniform with gain=0.02 -> bound = 0.02*sqrt(6/(K+D))
    bound = 0.02 * np.sqrt(6.0 / (K + D))
    prototypes = jax.random.uniform(key, (K, D), dtype=jnp.float32, minval=-bound, maxval=bound)
    return {"prototypes": prototypes}

def reference(prototypes):
    # forward(use_ema=False): return F.normalize(prototypes, p=2, dim=-1)
    norm = jnp.sqrt(jnp.sum(prototypes * prototypes, axis=-1, keepdims=True))
    return prototypes / jnp.maximum(norm, 1e-12)

if __name__ == "__main__":
    import jax
    _d = setup_inputs()
    print(jax.jit(kernel)(*tuple(_d.values())))

</pallas_src>

<mosaic_0001>
#map = affine_map<(d0, d1) -> (0, 0)>
module attributes {stable_mosaic.version = 14 : i64} {
  func.func @_sc_body(%arg0: i32, %arg1: i32, %arg2: memref<1024x256xf32, #tpu.memory_space<hbm>>, %arg3: memref<1024x256xf32, #tpu.memory_space<hbm>>, %arg4: memref<32x256xf32, #tpu.memory_space<vmem>>, %arg5: memref<16x16xf32, #tpu.memory_space<vmem>>, %arg6: memref<!tpu.dma_semaphore, #tpu.memory_space<semaphore_mem>>, %arg7: memref<!tpu.dma_semaphore, #tpu.memory_space<semaphore_mem>>) attributes {dimension_semantics = [#tpu.dimension_semantics<core_parallel>, #tpu.dimension_semantics<subcore_parallel>], iteration_bounds = array<i64: 2, 16>, scalar_prefetch = 0 : i64, scratch_operands = 4 : i64, tpu.core_type = #tpu.core_type<sc_vector_subcore>, window_params = [{transform_indices = #map}, {transform_indices = #map}]} {
    %mul3A = arith.constant 2 : i32
    %mul3A_0 = arith.muli %arg1, %mul3A : i32
    %add3A = arith.addi %mul3A_0, %arg0 : i32
    %mul3A_1 = arith.constant 32 : i32
    %mul3A_2 = arith.muli %add3A, %mul3A_1 : i32
    %iota3A = tpu.iota {dimensions = array<i32: 0>} : vector<16xi32>
    %dma_start3A = arith.constant 0 : i32
    %dma_start3A_3 = tpu.memref_slice %arg2[%mul3A_2, %dma_start3A] : memref<1024x256xf32, #tpu.memory_space<hbm>> -> memref<32x256xf32, #tpu.memory_space<hbm>>
    %dma_start3A_4 = arith.constant 0 : i32
    %dma_start3A_5 = tpu.memref_slice %arg2[%mul3A_2, %dma_start3A_4] : memref<1024x256xf32, #tpu.memory_space<hbm>> -> memref<32x256xf32, #tpu.memory_space<hbm>>
    tpu.enqueue_dma source(%dma_start3A_5 : memref<32x256xf32, #tpu.memory_space<hbm>>) target(%arg4 : memref<32x256xf32, #tpu.memory_space<vmem>>) target_semaphore(%arg6 : memref<!tpu.dma_semaphore, #tpu.memory_space<semaphore_mem>>)
    %dma_wait3A = arith.constant 0 : i32
    %dma_wait3A_6 = tpu.memref_slice %arg2[%mul3A_2, %dma_wait3A] : memref<1024x256xf32, #tpu.memory_space<hbm>> -> memref<32x256xf32, #tpu.memory_space<hbm>>
    %dma_wait3A_7 = arith.constant 0 : i32
    %dma_wait3A_8 = tpu.memref_slice %arg2[%mul3A_2, %dma_wait3A_7] : memref<1024x256xf32, #tpu.memory_space<hbm>> -> memref<32x256xf32, #tpu.memory_space<hbm>>
    tpu.wait_dma2 semaphore(%arg6 : memref<!tpu.dma_semaphore, #tpu.memory_space<semaphore_mem>>) src(%dma_wait3A_8 : memref<32x256xf32, #tpu.memory_space<hbm>>) dst(%arg4 : memref<32x256xf32, #tpu.memory_space<vmem>>)
    %scan3A = arith.constant 0 : i32
    %scan3A_9 = arith.constant 0 : i32
    %scan3A_10 = arith.constant 2 : i32
    %scan3A_11 = arith.addi %scan3A_9, %scan3A_10 : i32
    %scan3A_12 = arith.constant 1 : i32
    scf.for %scan3A_22 = %scan3A_9 to %scan3A_11 step %scan3A_12  : i32 {
      %mul3A_23 = arith.constant 16 : i32
      %mul3A_24 = arith.muli %scan3A_22, %mul3A_23 : i32
      %scan3A_25 = arith.constant 0 : i32
      %scan3A_26 = arith.constant 0 : i32
      %scan3A_27 = arith.constant 16 : i32
      %scan3A_28 = arith.addi %scan3A_26, %scan3A_27 : i32
      %scan3A_29 = arith.constant 1 : i32
      scf.for %scan3A_405 = %scan3A_26 to %scan3A_28 step %scan3A_29  : i32 {
        %broadcast_in_dim3A_406 = arith.constant 0.000000e+00 : f32
        %broadcast_in_dim3A_407 = vector.broadcast %broadcast_in_dim3A_406 : f32 to vector<16xf32>
        %add3A_408 = arith.addi %mul3A_24, %scan3A_405 : i32
        %get3A_409 = arith.index_cast %add3A_408 : i32 to index
        %get3A_410 = arith.constant 0 : index
        %get3A_411 = tpu.vector_load %arg4[%get3A_409, %get3A_410] {strides = array<i32>} : memref<32x256xf32, #tpu.memory_space<vmem>>, vector<1x16xf32>,
        %get3A_412 = vector.shape_cast %get3A_411 : vector<1x16xf32> to vector<16xf32>
        %mul3A_413 = arith.mulf %get3A_412, %get3A_412 : vector<16xf32>
        %add3A_414 = arith.addf %broadcast_in_dim3A_407, %mul3A_413 : vector<16xf32>
        %add3A_415 = arith.addi %mul3A_24, %scan3A_405 : i32
        %get3A_416 = arith.index_cast %add3A_415 : i32 to index
        %get3A_417 = arith.constant 16 : index
        %get3A_418 = tpu.vector_load %arg4[%get3A_416, %get3A_417] {strides = array<i32>} : memref<32x256xf32, #tpu.memory_space<vmem>>, vector<1x16xf32>,
        %get3A_419 = vector.shape_cast %get3A_418 : vector<1x16xf32> to vector<16xf32>
        %mul3A_420 = arith.mulf %get3A_419, %get3A_419 : vector<16xf32>
        %add3A_421 = arith.addf %add3A_414, %mul3A_420 : vector<16xf32>
        %add3A_422 = arith.addi %mul3A_24, %scan3A_405 : i32
        %get3A_423 = arith.index_cast %add3A_422 : i32 to index
        %get3A_424 = arith.constant 32 : index
        %get3A_425 = tpu.vector_load %arg4[%get3A_423, %get3A_424] {strides = array<i32>} : memref<32x256xf32, #tpu.memory_space<vmem>>, vector<1x16xf32>,
        %get3A_426 = vector.shape_cast %get3A_425 : vector<1x16xf32> to vector<16xf32>
        %mul3A_427 = arith.mulf %get3A_426, %get3A_426 : vector<16xf32>
        %add3A_428 = arith.addf %add3A_421, %mul3A_427 : vector<16xf32>
        %add3A_429 = arith.addi %mul3A_24, %scan3A_405 : i32
        %get3A_430 = arith.index_cast %add3A_429 : i32 to index
        %get3A_431 = arith.constant 48 : index
        %get3A_432 = tpu.vector_load %arg4[%get3A_430, %get3A_431] {strides = array<i32>} : memref<32x256xf32, #tpu.memory_space<vmem>>, vector<1x16xf32>,
        %get3A_433 = vector.shape_cast %get3A_432 : vector<1x16xf32> to vector<16xf32>
        %mul3A_434 = arith.mulf %get3A_433, %get3A_433 : vector<16xf32>
        %add3A_435 = arith.addf %add3A_428, %mul3A_434 : vector<16xf32>
        %add3A_436 = arith.addi %mul3A_24, %scan3A_405 : i32
        %get3A_437 = arith.index_cast %add3A_436 : i32 to index
        %get3A_438 = arith.constant 64 : index
        %get3A_439 = tpu.vector_load %arg4[%get3A_437, %get3A_438] {strides = array<i32>} : memref<32x256xf32, #tpu.memory_space<vmem>>, vector<1x16xf32>,
        %get3A_440 = vector.shape_cast %get3A_439 : vector<1x16xf32> to vector<16xf32>
        %mul3A_441 = arith.mulf %get3A_440, %get3A_440 : vector<16xf32>
        %add3A_442 = arith.addf %add3A_435, %mul3A_441 : vector<16xf32>
        %add3A_443 = arith.addi %mul3A_24, %scan3A_405 : i32
        %get3A_444 = arith.index_cast %add3A_443 : i32 to index
        %get3A_445 = arith.constant 80 : index
        %get3A_446 = tpu.vector_load %arg4[%get3A_444, %get3A_445] {strides = array<i32>} : memref<32x256xf32, #tpu.memory_space<vmem>>, vector<1x16xf32>,
        %get3A_447 = vector.shape_cast %get3A_446 : vector<1x16xf32> to vector<16xf32>
        %mul3A_448 = arith.mulf %get3A_447, %get3A_447 : vector<16xf32>
        %add3A_449 = arith.addf %add3A_442, %mul3A_448 : vector<16xf32>
        %add3A_450 = arith.addi %mul3A_24, %scan3A_405 : i32
        %get3A_451 = arith.index_cast %add3A_450 : i32 to index
        %get3A_452 = arith.constant 96 : index
        %get3A_453 = tpu.vector_load %arg4[%get3A_451, %get3A_452] {strides = array<i32>} : memref<32x256xf32, #tpu.memory_space<vmem>>, vector<1x16xf32>,
        %get3A_454 = vector.shape_cast %get3A_453 : vector<1x16xf32> to vector<16xf32>
        %mul3A_455 = arith.mulf %get3A_454, %get3A_454 : vector<16xf32>
        %add3A_456 = arith.addf %add3A_449, %mul3A_455 : vector<16xf32>
        %add3A_457 = arith.addi %mul3A_24, %scan3A_405 : i32
        %get3A_458 = arith.index_cast %add3A_457 : i32 to index
        %get3A_459 = arith.constant 112 : index
        %get3A_460 = tpu.vector_load %arg4[%get3A_458, %get3A_459] {strides = array<i32>} : memref<32x256xf32, #tpu.memory_space<vmem>>, vector<1x16xf32>,
        %get3A_461 = vector.shape_cast %get3A_460 : vector<1x16xf32> to vector<16xf32>
        %mul3A_462 = arith.mulf %get3A_461, %get3A_461 : vector<16xf32>
        %add3A_463 = arith.addf %add3A_456, %mul3A_462 : vector<16xf32>
        %add3A_464 = arith.addi %mul3A_24, %scan3A_405 : i32
        %get3A_465 = arith.index_cast %add3A_464 : i32 to index
        %get3A_466 = arith.constant 128 : index
        %get3A_467 = tpu.vector_load %arg4[%get3A_465, %get3A_466] {strides = array<i32>} : memref<32x256xf32, #tpu.memory_space<vmem>>, vector<1x16xf32>,
        %get3A_468 = vector.shape_cast %get3A_467 : vector<1x16xf32> to vector<16xf32>
        %mul3A_469 = arith.mulf %get3A_468, %get3A_468 : vector<16xf32>
        %add3A_470 = arith.addf %add3A_463, %mul3A_469 : vector<16xf32>
        %add3A_471 = arith.addi %mul3A_24, %scan3A_405 : i32
        %get3A_472 = arith.index_cast %add3A_471 : i32 to index
        %get3A_473 = arith.constant 144 : index
        %get3A_474 = tpu.vector_load %arg4[%get3A_472, %get3A_473] {strides = array<i32>} : memref<32x256xf32, #tpu.memory_space<vmem>>, vector<1x16xf32>,
        %get3A_475 = vector.shape_cast %get3A_474 : vector<1x16xf32> to vector<16xf32>
        %mul3A_476 = arith.mulf %get3A_475, %get3A_475 : vector<16xf32>
        %add3A_477 = arith.addf %add3A_470, %mul3A_476 : vector<16xf32>
        %add3A_478 = arith.addi %mul3A_24, %scan3A_405 : i32
        %get3A_479 = arith.index_cast %add3A_478 : i32 to index
        %get3A_480 = arith.constant 160 : index
        %get3A_481 = tpu.vector_load %arg4[%get3A_479, %get3A_480] {strides = array<i32>} : memref<32x256xf32, #tpu.memory_space<vmem>>, vector<1x16xf32>,
        %get3A_482 = vector.shape_cast %get3A_481 : vector<1x16xf32> to vector<16xf32>
        %mul3A_483 = arith.mulf %get3A_482, %get3A_482 : vector<16xf32>
        %add3A_484 = arith.addf %add3A_477, %mul3A_483 : vector<16xf32>
        %add3A_485 = arith.addi %mul3A_24, %scan3A_405 : i32
        %get3A_486 = arith.index_cast %add3A_485 : i32 to index
        %get3A_487 = arith.constant 176 : index
        %get3A_488 = tpu.vector_load %arg4[%get3A_486, %get3A_487] {strides = array<i32>} : memref<32x256xf32, #tpu.memory_space<vmem>>, vector<1x16xf32>,
        %get3A_489 = vector.shape_cast %get3A_488 : vector<1x16xf32> to vector<16xf32>
        %mul3A_490 = arith.mulf %get3A_489, %get3A_489 : vector<16xf32>
        %add3A_491 = arith.addf %add3A_484, %mul3A_490 : vector<16xf32>
        %add3A_492 = arith.addi %mul3A_24, %scan3A_405 : i32
        %get3A_493 = arith.index_cast %add3A_492 : i32 to index
        %get3A_494 = arith.constant 192 : index
        %get3A_495 = tpu.vector_load %arg4[%get3A_493, %get3A_494] {strides = array<i32>} : memref<32x256xf32, #tpu.memory_space<vmem>>, vector<1x16xf32>,
        %get3A_496 = vector.shape_cast %get3A_495 : vector<1x16xf32> to vector<16xf32>
        %mul3A_497 = arith.mulf %get3A_496, %get3A_496 : vector<16xf32>
        %add3A_498 = arith.addf %add3A_491, %mul3A_497 : vector<16xf32>
        %add3A_499 = arith.addi %mul3A_24, %scan3A_405 : i32
        %get3A_500 = arith.index_cast %add3A_499 : i32 to index
        %get3A_501 = arith.constant 208 : index
        %get3A_502 = tpu.vector_load %arg4[%get3A_500, %get3A_501] {strides = array<i32>} : memref<32x256xf32, #tpu.memory_space<vmem>>, vector<1x16xf32>,
        %get3A_503 = vector.shape_cast %get3A_502 : vector<1x16xf32> to vector<16xf32>
        %mul3A_504 = arith.mulf %get3A_503, %get3A_503 : vector<16xf32>
        %add3A_505 = arith.addf %add3A_498, %mul3A_504 : vector<16xf32>
        %add3A_506 = arith.addi %mul3A_24, %scan3A_405 : i32
        %get3A_507 = arith.index_cast %add3A_506 : i32 to index
        %get3A_508 = arith.constant 224 : index
        %get3A_509 = tpu.vector_load %arg4[%get3A_507, %get3A_508] {strides = array<i32>} : memref<32x256xf32, #tpu.memory_space<vmem>>, vector<1x16xf32>,
        %get3A_510 = vector.shape_cast %get3A_509 : vector<1x16xf32> to vector<16xf32>
        %mul3A_511 = arith.mulf %get3A_510, %get3A_510 : vector<16xf32>
        %add3A_512 = arith.addf %add3A_505, %mul3A_511 : vector<16xf32>
        %add3A_513 = arith.addi %mul3A_24, %scan3A_405 : i32
        %get3A_514 = arith.index_cast %add3A_513 : i32 to index
        %get3A_515 = arith.constant 240 : index
        %get3A_516 = tpu.vector_load %arg4[%get3A_514, %get3A_515] {strides = array<i32>} : memref<32x256xf32, #tpu.memory_space<vmem>>, vector<1x16xf32>,
        %get3A_517 = vector.shape_cast %get3A_516 : vector<1x16xf32> to vector<16xf32>
        %mul3A_518 = arith.mulf %get3A_517, %get3A_517 : vector<16xf32>
        %add3A_519 = arith.addf %add3A_512, %mul3A_518 : vector<16xf32>
        %swap3A = arith.index_cast %scan3A_405 : i32 to index
        %swap3A_520 = arith.constant 0 : index
        %swap3A_521 = tpu.vector_load %arg5[%swap3A, %swap3A_520] {strides = array<i32>} : memref<16x16xf32, #tpu.memory_space<vmem>>, vector<1x16xf32>,
        %swap3A_522 = vector.shape_cast %swap3A_521 : vector<1x16xf32> to vector<16xf32>
        %swap3A_523 = vector.shape_cast %add3A_519 : vector<16xf32> to vector<1x16xf32>
        tpu.vector_store %arg5[%swap3A, %swap3A_520], %swap3A_523 {strides = array<i32>} : memref<16x16xf32, #tpu.memory_space<vmem>>, vector<1x16xf32>,
      }
      %scan3A_30 = arith.constant 16 : i32
      %get3A = arith.constant 0 : i32
      %get3A_31 = arith.index_cast %get3A : i32 to index
      %get3A_32 = arith.constant 0 : index
      %get3A_33 = tpu.vector_load %arg5[%get3A_31, %get3A_32] {strides = array<i32>} : memref<16x16xf32, #tpu.memory_space<vmem>>, vector<1x16xf32>,
      %get3A_34 = vector.shape_cast %get3A_33 : vector<1x16xf32> to vector<16xf32>
      %get3A_35 = arith.constant 1 : i32
      %get3A_36 = arith.index_cast %get3A_35 : i32 to index
      %get3A_37 = arith.constant 0 : index
      %get3A_38 = tpu.vector_load %arg5[%get3A_36, %get3A_37] {strides = array<i32>} : memref<16x16xf32, #tpu.memory_space<vmem>>, vector<1x16xf32>,
      %get3A_39 = vector.shape_cast %get3A_38 : vector<1x16xf32> to vector<16xf32>
      %get3A_40 = arith.constant 2 : i32
      %get3A_41 = arith.index_cast %get3A_40 : i32 to index
      %get3A_42 = arith.constant 0 : index
      %get3A_43 = tpu.vector_load %arg5[%get3A_41, %get3A_42] {strides = array<i32>} : memref<16x16xf32, #tpu.memory_space<vmem>>, vector<1x16xf32>,
      %get3A_44 = vector.shape_cast %get3A_43 : vector<1x16xf32> to vector<16xf32>
      %get3A_45 = arith.constant 3 : i32
      %get3A_46 = arith.index_cast %get3A_45 : i32 to index
      %get3A_47 = arith.constant 0 : index
      %get3A_48 = tpu.vector_load %arg5[%get3A_46, %get3A_47] {strides = array<i32>} : memref<16x16xf32, #tpu.memory_space<vmem>>, vector<1x16xf32>,
      %get3A_49 = vector.shape_cast %get3A_48 : vector<1x16xf32> to vector<16xf32>
      %get3A_50 = arith.constant 4 : i32
      %get3A_51 = arith.index_cast %get3A_50 : i32 to index
      %get3A_52 = arith.constant 0 : index
      %get3A_53 = tpu.vector_load %arg5[%get3A_51, %get3A_52] {strides = array<i32>} : memref<16x16xf32, #tpu.memory_space<vmem>>, vector<1x16xf32>,
      %get3A_54 = vector.shape_cast %get3A_53 : vector<1x16xf32> to vector<16xf32>
      %get3A_55 = arith.constant 5 : i32
      %get3A_56 = arith.index_cast %get3A_55 : i32 to index
      %get3A_57 = arith.constant 0 : index
      %get3A_58 = tpu.vector_load %arg5[%get3A_56, %get3A_57] {strides = array<i32>} : memref<16x16xf32, #tpu.memory_space<vmem>>, vector<1x16xf32>,
      %get3A_59 = vector.shape_cast %get3A_58 : vector<1x16xf32> to vector<16xf32>
      %get3A_60 = arith.constant 6 : i32
      %get3A_61 = arith.index_cast %get3A_60 : i32 to index
      %get3A_62 = arith.constant 0 : index
      %get3A_63 = tpu.vector_load %arg5[%get3A_61, %get3A_62] {strides = array<i32>} : memref<16x16xf32, #tpu.memory_space<vmem>>, vector<1x16xf32>,
      %get3A_64 = vector.shape_cast %get3A_63 : vector<1x16xf32> to vector<16xf32>
      %get3A_65 = arith.constant 7 : i32
      %get3A_66 = arith.index_cast %get3A_65 : i32 to index
      %get3A_67 = arith.constant 0 : index
      %get3A_68 = tpu.vector_load %arg5[%get3A_66, %get3A_67] {strides = array<i32>} : memref<16x16xf32, #tpu.memory_space<vmem>>, vector<1x16xf32>,
      %get3A_69 = vector.shape_cast %get3A_68 : vector<1x16xf32> to vector<16xf32>
      %get3A_70 = arith.constant 8 : i32
      %get3A_71 = arith.index_cast %get3A_70 : i32 to index
      %get3A_72 = arith.constant 0 : index
      %get3A_73 = tpu.vector_load %arg5[%get3A_71, %get3A_72] {strides = array<i32>} : memref<16x16xf32, #tpu.memory_space<vmem>>, vector<1x16xf32>,
      %get3A_74 = vector.shape_cast %get3A_73 : vector<1x16xf32> to vector<16xf32>
      %get3A_75 = arith.constant 9 : i32
      %get3A_76 = arith.index_cast %get3A_75 : i32 to index
      %get3A_77 = arith.constant 0 : index
      %get3A_78 = tpu.vector_load %arg5[%get3A_76, %get3A_77] {strides = array<i32>} : memref<16x16xf32, #tpu.memory_space<vmem>>, vector<1x16xf32>,
      %get3A_79 = vector.shape_cast %get3A_78 : vector<1x16xf32> to vector<16xf32>
      %get3A_80 = arith.constant 10 : i32
      %get3A_81 = arith.index_cast %get3A_80 : i32 to index
      %get3A_82 = arith.constant 0 : index
      %get3A_83 = tpu.vector_load %arg5[%get3A_81, %get3A_82] {strides = array<i32>} : memref<16x16xf32, #tpu.memory_space<vmem>>, vector<1x16xf32>,
      %get3A_84 = vector.shape_cast %get3A_83 : vector<1x16xf32> to vector<16xf32>
      %get3A_85 = arith.constant 11 : i32
      %get3A_86 = arith.index_cast %get3A_85 : i32 to index
      %get3A_87 = arith.constant 0 : index
      %get3A_88 = tpu.vector_load %arg5[%get3A_86, %get3A_87] {strides = array<i32>} : memref<16x16xf32, #tpu.memory_space<vmem>>, vector<1x16xf32>,
      %get3A_89 = vector.shape_cast %get3A_88 : vector<1x16xf32> to vector<16xf32>
      %get3A_90 = arith.constant 12 : i32
      %get3A_91 = arith.index_cast %get3A_90 : i32 to index
      %get3A_92 = arith.constant 0 : index
      %get3A_93 = tpu.vector_load %arg5[%get3A_91, %get3A_92] {strides = array<i32>} : memref<16x16xf32, #tpu.memory_space<vmem>>, vector<1x16xf32>,
      %get3A_94 = vector.shape_cast %get3A_93 : vector<1x16xf32> to vector<16xf32>
      %get3A_95 = arith.constant 13 : i32
      %get3A_96 = arith.index_cast %get3A_95 : i32 to index
      %get3A_97 = arith.constant 0 : index
      %get3A_98 = tpu.vector_load %arg5[%get3A_96, %get3A_97] {strides = array<i32>} : memref<16x16xf32, #tpu.memory_space<vmem>>, vector<1x16xf32>,
      %get3A_99 = vector.shape_cast %get3A_98 : vector<1x16xf32> to vector<16xf32>
      %get3A_100 = arith.constant 14 : i32
      %get3A_101 = arith.index_cast %get3A_100 : i32 to index
      %get3A_102 = arith.constant 0 : index
      %get3A_103 = tpu.vector_load %arg5[%get3A_101, %get3A_102] {strides = array<i32>} : memref<16x16xf32, #tpu.memory_space<vmem>>, vector<1x16xf32>,
      %get3A_104 = vector.shape_cast %get3A_103 : vector<1x16xf32> to vector<16xf32>
      %get3A_105 = arith.constant 15 : i32
      %get3A_106 = arith.index_cast %get3A_105 : i32 to index
      %get3A_107 = arith.constant 0 : index
      %get3A_108 = tpu.vector_load %arg5[%get3A_106, %get3A_107] {strides = array<i32>} : memref<16x16xf32, #tpu.memory_space<vmem>>, vector<1x16xf32>,
      %get3A_109 = vector.shape_cast %get3A_108 : vector<1x16xf32> to vector<16xf32>
      %shift_right_arithmetic3A = arith.constant 0 : i32
      %shift_right_arithmetic3A_110 = vector.broadcast %shift_right_arithmetic3A : i32 to vector<16xi32>
      %shift_right_arithmetic3A_111 = arith.shrsi %iota3A, %shift_right_arithmetic3A_110 : vector<16xi32>
      %and3A = arith.constant 1 : i32
      %and3A_112 = vector.broadcast %and3A : i32 to vector<16xi32>
      %and3A_113 = arith.andi %shift_right_arithmetic3A_111, %and3A_112 : vector<16xi32>
      %eq3A = arith.constant 0 : i32
      %eq3A_114 = vector.broadcast %eq3A : i32 to vector<16xi32>
      %eq3A_115 = arith.cmpi eq, %and3A_113, %eq3A_114 : vector<16xi32>
      %xor3A = arith.constant 1 : i32
      %xor3A_116 = vector.broadcast %xor3A : i32 to vector<16xi32>
      %xor3A_117 = arith.xori %iota3A, %xor3A_116 : vector<16xi32>
      %broadcast_in_dim3A = vector.shape_cast %xor3A_117 : vector<16xi32> to vector<16x1xi32>
      %gather3A = vector.shape_cast %broadcast_in_dim3A : vector<16x1xi32> to vector<16xi32>
      %gather3A_118 = tpu.dynamic_gather %get3A_34[%gather3A] in [0] : vector<16xf32>, vector<16xi32> -> vector<16xf32>
      %xor3A_119 = arith.constant 1 : i32
      %xor3A_120 = vector.broadcast %xor3A_119 : i32 to vector<16xi32>
      %xor3A_121 = arith.xori %iota3A, %xor3A_120 : vector<16xi32>
      %broadcast_in_dim3A_122 = vector.shape_cast %xor3A_121 : vector<16xi32> to vector<16x1xi32>
      %gather3A_123 = vector.shape_cast %broadcast_in_dim3A_122 : vector<16x1xi32> to vector<16xi32>
      %gather3A_124 = tpu.dynamic_gather %get3A_39[%gather3A_123] in [0] : vector<16xf32>, vector<16xi32> -> vector<16xf32>
      %select_n3A = arith.select %eq3A_115, %get3A_34, %gather3A_124 : vector<16xi1>, vector<16xf32>
      %select_n3A_125 = arith.select %eq3A_115, %gather3A_118, %get3A_39 : vector<16xi1>, vector<16xf32>
      %add3A_126 = arith.addf %select_n3A, %select_n3A_125 : vector<16xf32>
      %xor3A_127 = arith.constant 1 : i32
      %xor3A_128 = vector.broadcast %xor3A_127 : i32 to vector<16xi32>
      %xor3A_129 = arith.xori %iota3A, %xor3A_128 : vector<16xi32>
      %broadcast_in_dim3A_130 = vector.shape_cast %xor3A_129 : vector<16xi32> to vector<16x1xi32>
      %gather3A_131 = vector.shape_cast %broadcast_in_dim3A_130 : vector<16x1xi32> to vector<16xi32>
      %gather3A_132 = tpu.dynamic_gather %get3A_44[%gather3A_131] in [0] : vector<16xf32>, vector<16xi32> -> vector<16xf32>
      %xor3A_133 = arith.constant 1 : i32
      %xor3A_134 = vector.broadcast %xor3A_133 : i32 to vector<16xi32>
      %xor3A_135 = arith.xori %iota3A, %xor3A_134 : vector<16xi32>
      %broadcast_in_dim3A_136 = vector.shape_cast %xor3A_135 : vector<16xi32> to vector<16x1xi32>
      %gather3A_137 = vector.shape_cast %broadcast_in_dim3A_136 : vector<16x1xi32> to vector<16xi32>
      %gather3A_138 = tpu.dynamic_gather %get3A_49[%gather3A_137] in [0] : vector<16xf32>, vector<16xi32> -> vector<16xf32>
      %select_n3A_139 = arith.select %eq3A_115, %get3A_44, %gather3A_138 : vector<16xi1>, vector<16xf32>
      %select_n3A_140 = arith.select %eq3A_115, %gather3A_132, %get3A_49 : vector<16xi1>, vector<16xf32>
      %add3A_141 = arith.addf %select_n3A_139, %select_n3A_140 : vector<16xf32>
      %xor3A_142 = arith.constant 1 : i32
      %xor3A_143 = vector.broadcast %xor3A_142 : i32 to vector<16xi32>
      %xor3A_144 = arith.xori %iota3A, %xor3A_143 : vector<16xi32>
      %broadcast_in_dim3A_145 = vector.shape_cast %xor3A_144 : vector<16xi32> to vector<16x1xi32>
      %gather3A_146 = vector.shape_cast %broadcast_in_dim3A_145 : vector<16x1xi32> to vector<16xi32>
      %gather3A_147 = tpu.dynamic_gather %get3A_54[%gather3A_146] in [0] : vector<16xf32>, vector<16xi32> -> vector<16xf32>
      %xor3A_148 = arith.constant 1 : i32
      %xor3A_149 = vector.broadcast %xor3A_148 : i32 to vector<16xi32>
      %xor3A_150 = arith.xori %iota3A, %xor3A_149 : vector<16xi32>
      %broadcast_in_dim3A_151 = vector.shape_cast %xor3A_150 : vector<16xi32> to vector<16x1xi32>
      %gather3A_152 = vector.shape_cast %broadcast_in_dim3A_151 : vector<16x1xi32> to vector<16xi32>
      %gather3A_153 = tpu.dynamic_gather %get3A_59[%gather3A_152] in [0] : vector<16xf32>, vector<16xi32> -> vector<16xf32>
      %select_n3A_154 = arith.select %eq3A_115, %get3A_54, %gather3A_153 : vector<16xi1>, vector<16xf32>
      %select_n3A_155 = arith.select %eq3A_115, %gather3A_147, %get3A_59 : vector<16xi1>, vector<16xf32>
      %add3A_156 = arith.addf %select_n3A_154, %select_n3A_155 : vector<16xf32>
      %xor3A_157 = arith.constant 1 : i32
      %xor3A_158 = vector.broadcast %xor3A_157 : i32 to vector<16xi32>
      %xor3A_159 = arith.xori %iota3A, %xor3A_158 : vector<16xi32>
      %broadcast_in_dim3A_160 = vector.shape_cast %xor3A_159 : vector<16xi32> to vector<16x1xi32>
      %gather3A_161 = vector.shape_cast %broadcast_in_dim3A_160 : vector<16x1xi32> to vector<16xi32>
      %gather3A_162 = tpu.dynamic_gather %get3A_64[%gather3A_161] in [0] : vector<16xf32>, vector<16xi32> -> vector<16xf32>
      %xor3A_163 = arith.constant 1 : i32
      %xor3A_164 = vector.broadcast %xor3A_163 : i32 to vector<16xi32>
      %xor3A_165 = arith.xori %iota3A, %xor3A_164 : vector<16xi32>
      %broadcast_in_dim3A_166 = vector.shape_cast %xor3A_165 : vector<16xi32> to vector<16x1xi32>
      %gather3A_167 = vector.shape_cast %broadcast_in_dim3A_166 : vector<16x1xi32> to vector<16xi32>
      %gather3A_168 = tpu.dynamic_gather %get3A_69[%gather3A_167] in [0] : vector<16xf32>, vector<16xi32> -> vector<16xf32>
      %select_n3A_169 = arith.select %eq3A_115, %get3A_64, %gather3A_168 : vector<16xi1>, vector<16xf32>
      %select_n3A_170 = arith.select %eq3A_115, %gather3A_162, %get3A_69 : vector<16xi1>, vector<16xf32>
      %add3A_171 = arith.addf %select_n3A_169, %select_n3A_170 : vector<16xf32>
      %xor3A_172 = arith.constant 1 : i32
      %xor3A_173 = vector.broadcast %xor3A_172 : i32 to vector<16xi32>
      %xor3A_174 = arith.xori %iota3A, %xor3A_173 : vector<16xi32>
      %broadcast_in_dim3A_175 = vector.shape_cast %xor3A_174 : vector<16xi32> to vector<16x1xi32>
      %gather3A_176 = vector.shape_cast %broadcast_in_dim3A_175 : vector<16x1xi32> to vector<16xi32>
      %gather3A_177 = tpu.dynamic_gather %get3A_74[%gather3A_176] in [0] : vector<16xf32>, vector<16xi32> -> vector<16xf32>
      %xor3A_178 = arith.constant 1 : i32
      %xor3A_179 = vector.broadcast %xor3A_178 : i32 to vector<16xi32>
      %xor3A_180 = arith.xori %iota3A, %xor3A_179 : vector<16xi32>
      %broadcast_in_dim3A_181 = vector.shape_cast %xor3A_180 : vector<16xi32> to vector<16x1xi32>
      %gather3A_182 = vector.shape_cast %broadcast_in_dim3A_181 : vector<16x1xi32> to vector<16xi32>
      %gather3A_183 = tpu.dynamic_gather %get3A_79[%gather3A_182] in [0] : vector<16xf32>, vector<16xi32> -> vector<16xf32>
      %select_n3A_184 = arith.select %eq3A_115, %get3A_74, %gather3A_183 : vector<16xi1>, vector<16xf32>
      %select_n3A_185 = arith.select %eq3A_115, %gather3A_177, %get3A_79 : vector<16xi1>, vector<16xf32>
      %add3A_186 = arith.addf %select_n3A_184, %select_n3A_185 : vector<16xf32>
      %xor3A_187 = arith.constant 1 : i32
      %xor3A_188 = vector.broadcast %xor3A_187 : i32 to vector<16xi32>
      %xor3A_189 = arith.xori %iota3A, %xor3A_188 : vector<16xi32>
      %broadcast_in_dim3A_190 = vector.shape_cast %xor3A_189 : vector<16xi32> to vector<16x1xi32>
      %gather3A_191 = vector.shape_cast %broadcast_in_dim3A_190 : vector<16x1xi32> to vector<16xi32>
      %gather3A_192 = tpu.dynamic_gather %get3A_84[%gather3A_191] in [0] : vector<16xf32>, vector<16xi32> -> vector<16xf32>
      %xor3A_193 = arith.constant 1 : i32
      %xor3A_194 = vector.broadcast %xor3A_193 : i32 to vector<16xi32>
      %xor3A_195 = arith.xori %iota3A, %xor3A_194 : vector<16xi32>
      %broadcast_in_dim3A_196 = vector.shape_cast %xor3A_195 : vector<16xi32> to vector<16x1xi32>
      %gather3A_197 = vector.shape_cast %broadcast_in_dim3A_196 : vector<16x1xi32> to vector<16xi32>
      %gather3A_198 = tpu.dynamic_gather %get3A_89[%gather3A_197] in [0] : vector<16xf32>, vector<16xi32> -> vector<16xf32>
      %select_n3A_199 = arith.select %eq3A_115, %get3A_84, %gather3A_198 : vector<16xi1>, vector<16xf32>
      %select_n3A_200 = arith.select %eq3A_115, %gather3A_192, %get3A_89 : vector<16xi1>, vector<16xf32>
      %add3A_201 = arith.addf %select_n3A_199, %select_n3A_200 : vector<16xf32>
      %xor3A_202 = arith.constant 1 : i32
      %xor3A_203 = vector.broadcast %xor3A_202 : i32 to vector<16xi32>
      %xor3A_204 = arith.xori %iota3A, %xor3A_203 : vector<16xi32>
      %broadcast_in_dim3A_205 = vector.shape_cast %xor3A_204 : vector<16xi32> to vector<16x1xi32>
      %gather3A_206 = vector.shape_cast %broadcast_in_dim3A_205 : vector<16x1xi32> to vector<16xi32>
      %gather3A_207 = tpu.dynamic_gather %get3A_94[%gather3A_206] in [0] : vector<16xf32>, vector<16xi32> -> vector<16xf32>
      %xor3A_208 = arith.constant 1 : i32
      %xor3A_209 = vector.broadcast %xor3A_208 : i32 to vector<16xi32>
      %xor3A_210 = arith.xori %iota3A, %xor3A_209 : vector<16xi32>
      %broadcast_in_dim3A_211 = vector.shape_cast %xor3A_210 : vector<16xi32> to vector<16x1xi32>
      %gather3A_212 = vector.shape_cast %broadcast_in_dim3A_211 : vector<16x1xi32> to vector<16xi32>
      %gather3A_213 = tpu.dynamic_gather %get3A_99[%gather3A_212] in [0] : vector<16xf32>, vector<16xi32> -> vector<16xf32>
      %select_n3A_214 = arith.select %eq3A_115, %get3A_94, %gather3A_213 : vector<16xi1>, vector<16xf32>
      %select_n3A_215 = arith.select %eq3A_115, %gather3A_207, %get3A_99 : vector<16xi1>, vector<16xf32>
      %add3A_216 = arith.addf %select_n3A_214, %select_n3A_215 : vector<16xf32>
      %xor3A_217 = arith.constant 1 : i32
      %xor3A_218 = vector.broadcast %xor3A_217 : i32 to vector<16xi32>
      %xor3A_219 = arith.xori %iota3A, %xor3A_218 : vector<16xi32>
      %broadcast_in_dim3A_220 = vector.shape_cast %xor3A_219 : vector<16xi32> to vector<16x1xi32>
      %gather3A_221 = vector.shape_cast %broadcast_in_dim3A_220 : vector<16x1xi32> to vector<16xi32>
      %gather3A_222 = tpu.dynamic_gather %get3A_104[%gather3A_221] in [0] : vector<16xf32>, vector<16xi32> -> vector<16xf32>
      %xor3A_223 = arith.constant 1 : i32
      %xor3A_224 = vector.broadcast %xor3A_223 : i32 to vector<16xi32>
      %xor3A_225 = arith.xori %iota3A, %xor3A_224 : vector<16xi32>
      %broadcast_in_dim3A_226 = vector.shape_cast %xor3A_225 : vector<16xi32> to vector<16x1xi32>
      %gather3A_227 = vector.shape_cast %broadcast_in_dim3A_226 : vector<16x1xi32> to vector<16xi32>
      %gather3A_228 = tpu.dynamic_gather %get3A_109[%gather3A_227] in [0] : vector<16xf32>, vector<16xi32> -> vector<16xf32>
      %select_n3A_229 = arith.select %eq3A_115, %get3A_104, %gather3A_228 : vector<16xi1>, vector<16xf32>
      %select_n3A_230 = arith.select %eq3A_115, %gather3A_222, %get3A_109 : vector<16xi1>, vector<16xf32>
      %add3A_231 = arith.addf %select_n3A_229, %select_n3A_230 : vector<16xf32>
      %shift_right_arithmetic3A_232 = arith.constant 1 : i32
      %shift_right_arithmetic3A_233 = vector.broadcast %shift_right_arithmetic3A_232 : i32 to vector<16xi32>
      %shift_right_arithmetic3A_234 = arith.shrsi %iota3A, %shift_right_arithmetic3A_233 : vector<16xi32>
      %and3A_235 = arith.constant 1 : i32
      %and3A_236 = vector.broadcast %and3A_235 : i32 to vector<16xi32>
      %and3A_237 = arith.andi %shift_right_arithmetic3A_234, %and3A_236 : vector<16xi32>
      %eq3A_238 = arith.constant 0 : i32
      %eq3A_239 = vector.broadcast %eq3A_238 : i32 to vector<16xi32>
      %eq3A_240 = arith.cmpi eq, %and3A_237, %eq3A_239 : vector<16xi32>
      %xor3A_241 = arith.constant 2 : i32
      %xor3A_242 = vector.broadcast %xor3A_241 : i32 to vector<16xi32>
      %xor3A_243 = arith.xori %iota3A, %xor3A_242 : vector<16xi32>
      %broadcast_in_dim3A_244 = vector.shape_cast %xor3A_243 : vector<16xi32> to vector<16x1xi32>
      %gather3A_245 = vector.shape_cast %broadcast_in_dim3A_244 : vector<16x1xi32> to vector<16xi32>
      %gather3A_246 = tpu.dynamic_gather %add3A_126[%gather3A_245] in [0] : vector<16xf32>, vector<16xi32> -> vector<16xf32>
      %xor3A_247 = arith.constant 2 : i32
      %xor3A_248 = vector.broadcast %xor3A_247 : i32 to vector<16xi32>
      %xor3A_249 = arith.xori %iota3A, %xor3A_248 : vector<16xi32>
      %broadcast_in_dim3A_250 = vector.shape_cast %xor3A_249 : vector<16xi32> to vector<16x1xi32>
      %gather3A_251 = vector.shape_cast %broadcast_in_dim3A_250 : vector<16x1xi32> to vector<16xi32>
      %gather3A_252 = tpu.dynamic_gather %add3A_141[%gather3A_251] in [0] : vector<16xf32>, vector<16xi32> -> vector<16xf32>
      %select_n3A_253 = arith.select %eq3A_240, %add3A_126, %gather3A_252 : vector<16xi1>, vector<16xf32>
      %select_n3A_254 = arith.select %eq3A_240, %gather3A_246, %add3A_141 : vector<16xi1>, vector<16xf32>
      %add3A_255 = arith.addf %select_n3A_253, %select_n3A_254 : vector<16xf32>
      %xor3A_256 = arith.constant 2 : i32
      %xor3A_257 = vector.broadcast %xor3A_256 : i32 to vector<16xi32>
      %xor3A_258 = arith.xori %iota3A, %xor3A_257 : vector<16xi32>
      %broadcast_in_dim3A_259 = vector.shape_cast %xor3A_258 : vector<16xi32> to vector<16x1xi32>
      %gather3A_260 = vector.shape_cast %broadcast_in_dim3A_259 : vector<16x1xi32> to vector<16xi32>
      %gather3A_261 = tpu.dynamic_gather %add3A_156[%gather3A_260] in [0] : vector<16xf32>, vector<16xi32> -> vector<16xf32>
      %xor3A_262 = arith.constant 2 : i32
      %xor3A_263 = vector.broadcast %xor3A_262 : i32 to vector<16xi32>
      %xor3A_264 = arith.xori %iota3A, %xor3A_263 : vector<16xi32>
      %broadcast_in_dim3A_265 = vector.shape_cast %xor3A_264 : vector<16xi32> to vector<16x1xi32>
      %gather3A_266 = vector.shape_cast %broadcast_in_dim3A_265 : vector<16x1xi32> to vector<16xi32>
      %gather3A_267 = tpu.dynamic_gather %add3A_171[%gather3A_266] in [0] : vector<16xf32>, vector<16xi32> -> vector<16xf32>
      %select_n3A_268 = arith.select %eq3A_240, %add3A_156, %gather3A_267 : vector<16xi1>, vector<16xf32>
      %select_n3A_269 = arith.select %eq3A_240, %gather3A_261, %add3A_171 : vector<16xi1>, vector<16xf32>
      %add3A_270 = arith.addf %select_n3A_268, %select_n3A_269 : vector<16xf32>
      %xor3A_271 = arith.constant 2 : i32
      %xor3A_272 = vector.broadcast %xor3A_271 : i32 to vector<16xi32>
      %xor3A_273 = arith.xori %iota3A, %xor3A_272 : vector<16xi32>
      %broadcast_in_dim3A_274 = vector.shape_cast %xor3A_273 : vector<16xi32> to vector<16x1xi32>
      %gather3A_275 = vector.shape_cast %broadcast_in_dim3A_274 : vector<16x1xi32> to vector<16xi32>
      %gather3A_276 = tpu.dynamic_gather %add3A_186[%gather3A_275] in [0] : vector<16xf32>, vector<16xi32> -> vector<16xf32>
      %xor3A_277 = arith.constant 2 : i32
      %xor3A_278 = vector.broadcast %xor3A_277 : i32 to vector<16xi32>
      %xor3A_279 = arith.xori %iota3A, %xor3A_278 : vector<16xi32>
      %broadcast_in_dim3A_280 = vector.shape_cast %xor3A_279 : vector<16xi32> to vector<16x1xi32>
      %gather3A_281 = vector.shape_cast %broadcast_in_dim3A_280 : vector<16x1xi32> to vector<16xi32>
      %gather3A_282 = tpu.dynamic_gather %add3A_201[%gather3A_281] in [0] : vector<16xf32>, vector<16xi32> -> vector<16xf32>
      %select_n3A_283 = arith.select %eq3A_240, %add3A_186, %gather3A_282 : vector<16xi1>, vector<16xf32>
      %select_n3A_284 = arith.select %eq3A_240, %gather3A_276, %add3A_201 : vector<16xi1>, vector<16xf32>
      %add3A_285 = arith.addf %select_n3A_283, %select_n3A_284 : vector<16xf32>
      %xor3A_286 = arith.constant 2 : i32
      %xor3A_287 = vector.broadcast %xor3A_286 : i32 to vector<16xi32>
      %xor3A_288 = arith.xori %iota3A, %xor3A_287 : vector<16xi32>
      %broadcast_in_dim3A_289 = vector.shape_cast %xor3A_288 : vector<16xi32> to vector<16x1xi32>
      %gather3A_290 = vector.shape_cast %broadcast_in_dim3A_289 : vector<16x1xi32> to vector<16xi32>
      %gather3A_291 = tpu.dynamic_gather %add3A_216[%gather3A_290] in [0] : vector<16xf32>, vector<16xi32> -> vector<16xf32>
      %xor3A_292 = arith.constant 2 : i32
      %xor3A_293 = vector.broadcast %xor3A_292 : i32 to vector<16xi32>
      %xor3A_294 = arith.xori %iota3A, %xor3A_293 : vector<16xi32>
      %broadcast_in_dim3A_295 = vector.shape_cast %xor3A_294 : vector<16xi32> to vector<16x1xi32>
      %gather3A_296 = vector.shape_cast %broadcast_in_dim3A_295 : vector<16x1xi32> to vector<16xi32>
      %gather3A_297 = tpu.dynamic_gather %add3A_231[%gather3A_296] in [0] : vector<16xf32>, vector<16xi32> -> vector<16xf32>
      %select_n3A_298 = arith.select %eq3A_240, %add3A_216, %gather3A_297 : vector<16xi1>, vector<16xf32>
      %select_n3A_299 = arith.select %eq3A_240, %gather3A_291, %add3A_231 : vector<16xi1>, vector<16xf32>
      %add3A_300 = arith.addf %select_n3A_298, %select_n3A_299 : vector<16xf32>
      %shift_right_arithmetic3A_301 = arith.constant 2 : i32
      %shift_right_arithmetic3A_302 = vector.broadcast %shift_right_arithmetic3A_301 : i32 to vector<16xi32>
      %shift_right_arithmetic3A_303 = arith.shrsi %iota3A, %shift_right_arithmetic3A_302 : vector<16xi32>
      %and3A_304 = arith.constant 1 : i32
      %and3A_305 = vector.broadcast %and3A_304 : i32 to vector<16xi32>
      %and3A_306 = arith.andi %shift_right_arithmetic3A_303, %and3A_305 : vector<16xi32>
      %eq3A_307 = arith.constant 0 : i32
      %eq3A_308 = vector.broadcast %eq3A_307 : i32 to vector<16xi32>
      %eq3A_309 = arith.cmpi eq, %and3A_306, %eq3A_308 : vector<16xi32>
      %xor3A_310 = arith.constant 4 : i32
      %xor3A_311 = vector.broadcast %xor3A_310 : i32 to vector<16xi32>
      %xor3A_312 = arith.xori %iota3A, %xor3A_311 : vector<16xi32>
      %broadcast_in_dim3A_313 = vector.shape_cast %xor3A_312 : vector<16xi32> to vector<16x1xi32>
      %gather3A_314 = vector.shape_cast %broadcast_in_dim3A_313 : vector<16x1xi32> to vector<16xi32>
      %gather3A_315 = tpu.dynamic_gather %add3A_255[%gather3A_314] in [0] : vector<16xf32>, vector<16xi32> -> vector<16xf32>
      %xor3A_316 = arith.constant 4 : i32
      %xor3A_317 = vector.broadcast %xor3A_316 : i32 to vector<16xi32>
      %xor3A_318 = arith.xori %iota3A, %xor3A_317 : vector<16xi32>
      %broadcast_in_dim3A_319 = vector.shape_cast %xor3A_318 : vector<16xi32> to vector<16x1xi32>
      %gather3A_320 = vector.shape_cast %broadcast_in_dim3A_319 : vector<16x1xi32> to vector<16xi32>
      %gather3A_321 = tpu.dynamic_gather %add3A_270[%gather3A_320] in [0] : vector<16xf32>, vector<16xi32> -> vector<16xf32>
      %select_n3A_322 = arith.select %eq3A_309, %add3A_255, %gather3A_321 : vector<16xi1>, vector<16xf32>
      %select_n3A_323 = arith.select %eq3A_309, %gather3A_315, %add3A_270 : vector<16xi1>, vector<16xf32>
      %add3A_324 = arith.addf %select_n3A_322, %select_n3A_323 : vector<16xf32>
      %xor3A_325 = arith.constant 4 : i32
      %xor3A_326 = vector.broadcast %xor3A_325 : i32 to vector<16xi32>
      %xor3A_327 = arith.xori %iota3A, %xor3A_326 : vector<16xi32>
      %broadcast_in_dim3A_328 = vector.shape_cast %xor3A_327 : vector<16xi32> to vector<16x1xi32>
      %gather3A_329 = vector.shape_cast %broadcast_in_dim3A_328 : vector<16x1xi32> to vector<16xi32>
      %gather3A_330 = tpu.dynamic_gather %add3A_285[%gather3A_329] in [0] : vector<16xf32>, vector<16xi32> -> vector<16xf32>
      %xor3A_331 = arith.constant 4 : i32
      %xor3A_332 = vector.broadcast %xor3A_331 : i32 to vector<16xi32>
      %xor3A_333 = arith.xori %iota3A, %xor3A_332 : vector<16xi32>
      %broadcast_in_dim3A_334 = vector.shape_cast %xor3A_333 : vector<16xi32> to vector<16x1xi32>
      %gather3A_335 = vector.shape_cast %broadcast_in_dim3A_334 : vector<16x1xi32> to vector<16xi32>
      %gather3A_336 = tpu.dynamic_gather %add3A_300[%gather3A_335] in [0] : vector<16xf32>, vector<16xi32> -> vector<16xf32>
      %select_n3A_337 = arith.select %eq3A_309, %add3A_285, %gather3A_336 : vector<16xi1>, vector<16xf32>
      %select_n3A_338 = arith.select %eq3A_309, %gather3A_330, %add3A_300 : vector<16xi1>, vector<16xf32>
      %add3A_339 = arith.addf %select_n3A_337, %select_n3A_338 : vector<16xf32>
      %shift_right_arithmetic3A_340 = arith.constant 3 : i32
      %shift_right_arithmetic3A_341 = vector.broadcast %shift_right_arithmetic3A_340 : i32 to vector<16xi32>
      %shift_right_arithmetic3A_342 = arith.shrsi %iota3A, %shift_right_arithmetic3A_341 : vector<16xi32>
      %and3A_343 = arith.constant 1 : i32
      %and3A_344 = vector.broadcast %and3A_343 : i32 to vector<16xi32>
      %and3A_345 = arith.andi %shift_right_arithmetic3A_342, %and3A_344 : vector<16xi32>
      %eq3A_346 = arith.constant 0 : i32
      %eq3A_347 = vector.broadcast %eq3A_346 : i32 to vector<16xi32>
      %eq3A_348 = arith.cmpi eq, %and3A_345, %eq3A_347 : vector<16xi32>
      %xor3A_349 = arith.constant 8 : i32
      %xor3A_350 = vector.broadcast %xor3A_349 : i32 to vector<16xi32>
      %xor3A_351 = arith.xori %iota3A, %xor3A_350 : vector<16xi32>
      %broadcast_in_dim3A_352 = vector.shape_cast %xor3A_351 : vector<16xi32> to vector<16x1xi32>
      %gather3A_353 = vector.shape_cast %broadcast_in_dim3A_352 : vector<16x1xi32> to vector<16xi32>
      %gather3A_354 = tpu.dynamic_gather %add3A_324[%gather3A_353] in [0] : vector<16xf32>, vector<16xi32> -> vector<16xf32>
      %xor3A_355 = arith.constant 8 : i32
      %xor3A_356 = vector.broadcast %xor3A_355 : i32 to vector<16xi32>
      %xor3A_357 = arith.xori %iota3A, %xor3A_356 : vector<16xi32>
      %broadcast_in_dim3A_358 = vector.shape_cast %xor3A_357 : vector<16xi32> to vector<16x1xi32>
      %gather3A_359 = vector.shape_cast %broadcast_in_dim3A_358 : vector<16x1xi32> to vector<16xi32>
      %gather3A_360 = tpu.dynamic_gather %add3A_339[%gather3A_359] in [0] : vector<16xf32>, vector<16xi32> -> vector<16xf32>
      %select_n3A_361 = arith.select %eq3A_348, %add3A_324, %gather3A_360 : vector<16xi1>, vector<16xf32>
      %select_n3A_362 = arith.select %eq3A_348, %gather3A_354, %add3A_339 : vector<16xi1>, vector<16xf32>
      %add3A_363 = arith.addf %select_n3A_361, %select_n3A_362 : vector<16xf32>
      %bitcast_convert_type3A = tpu.bitcast %add3A_363 : vector<16xf32> -> vector<16xi32>
      %shift_right_arithmetic3A_364 = arith.constant 1 : i32
      %shift_right_arithmetic3A_365 = vector.broadcast %shift_right_arithmetic3A_364 : i32 to vector<16xi32>
      %shift_right_arithmetic3A_366 = arith.shrsi %bitcast_convert_type3A, %shift_right_arithmetic3A_365 : vector<16xi32>
      %sub3A = arith.constant 1597463007 : i32
      %sub3A_367 = vector.broadcast %sub3A : i32 to vector<16xi32>
      %sub3A_368 = arith.subi %sub3A_367, %shift_right_arithmetic3A_366 : vector<16xi32>
      %bitcast_convert_type3A_369 = tpu.bitcast %sub3A_368 : vector<16xi32> -> vector<16xf32>
      %mul3A_370 = arith.constant 5.000000e-01 : f32
      %mul3A_371 = vector.broadcast %mul3A_370 : f32 to vector<16xf32>
      %mul3A_372 = arith.mulf %mul3A_371, %add3A_363 : vector<16xf32>
      %mul3A_373 = arith.mulf %mul3A_372, %bitcast_convert_type3A_369 : vector<16xf32>
      %mul3A_374 = arith.mulf %mul3A_373, %bitcast_convert_type3A_369 : vector<16xf32>
      %sub3A_375 = arith.constant 1.500000e+00 : f32
      %sub3A_376 = vector.broadcast %sub3A_375 : f32 to vector<16xf32>
      %sub3A_377 = arith.subf %sub3A_376, %mul3A_374 : vector<16xf32>
      %mul3A_378 = arith.mulf %bitcast_convert_type3A_369, %sub3A_377 : vector<16xf32>
      %mul3A_379 = arith.constant 5.000000e-01 : f32
      %mul3A_380 = vector.broadcast %mul3A_379 : f32 to vector<16xf32>
      %mul3A_381 = arith.mulf %mul3A_380, %add3A_363 : vector<16xf32>
      %mul3A_382 = arith.mulf %mul3A_381, %mul3A_378 : vector<16xf32>
      %mul3A_383 = arith.mulf %mul3A_382, %mul3A_378 : vector<16xf32>
      %sub3A_384 = arith.constant 1.500000e+00 : f32
      %sub3A_385 = vector.broadcast %sub3A_384 : f32 to vector<16xf32>
      %sub3A_386 = arith.subf %sub3A_385, %mul3A_383 : vector<16xf32>
      %mul3A_387 = arith.mulf %mul3A_378, %sub3A_386 : vector<16xf32>
      %mul3A_388 = arith.constant 5.000000e-01 : f32
      %mul3A_389 = vector.broadcast %mul3A_388 : f32 to vector<16xf32>
      %mul3A_390 = arith.mulf %mul3A_389, %add3A_363 : vector<16xf32>
      %mul3A_391 = arith.mulf %mul3A_390, %mul3A_387 : vector<16xf32>
      %mul3A_392 = arith.mulf %mul3A_391, %mul3A_387 : vector<16xf32>
      %sub3A_393 = arith.constant 1.500000e+00 : f32
      %sub3A_394 = vector.broadcast %sub3A_393 : f32 to vector<16xf32>
      %sub3A_395 = arith.subf %sub3A_394, %mul3A_392 : vector<16xf32>
      %mul3A_396 = arith.mulf %mul3A_387, %sub3A_395 : vector<16xf32>
      %min3A = arith.constant 9.99999995E+11 : f32
      %min3A_397 = vector.broadcast %min3A : f32 to vector<16xf32>
      %min3A_398 = arith.minimumf %mul3A_396, %min3A_397 : vector<16xf32>
      %scan3A_399 = arith.constant 0 : i32
      %scan3A_400 = arith.constant 0 : i32
      %scan3A_401 = arith.constant 16 : i32
      %scan3A_402 = arith.addi %scan3A_400, %scan3A_401 : i32
      %scan3A_403 = arith.constant 1 : i32
      scf.for %scan3A_405 = %scan3A_400 to %scan3A_402 step %scan3A_403  : i32 {
        %broadcast_in_dim3A_406 = vector.broadcast %scan3A_405 : i32 to vector<16xi32>
        %broadcast_in_dim3A_407 = vector.shape_cast %broadcast_in_dim3A_406 : vector<16xi32> to vector<16x1xi32>
        %gather3A_408 = vector.shape_cast %broadcast_in_dim3A_407 : vector<16x1xi32> to vector<16xi32>
        %gather3A_409 = tpu.dynamic_gather %min3A_398[%gather3A_408] in [0] : vector<16xf32>, vector<16xi32> -> vector<16xf32>
        %add3A_410 = arith.addi %mul3A_24, %scan3A_405 : i32
        %get3A_411 = arith.index_cast %add3A_410 : i32 to index
        %get3A_412 = arith.constant 0 : index
        %get3A_413 = tpu.vector_load %arg4[%get3A_411, %get3A_412] {strides = array<i32>} : memref<32x256xf32, #tpu.memory_space<vmem>>, vector<1x16xf32>,
        %get3A_414 = vector.shape_cast %get3A_413 : vector<1x16xf32> to vector<16xf32>
        %mul3A_415 = arith.mulf %get3A_414, %gather3A_409 : vector<16xf32>
        %add3A_416 = arith.addi %mul3A_24, %scan3A_405 : i32
        %swap3A = arith.index_cast %add3A_416 : i32 to index
        %swap3A_417 = arith.constant 0 : index
        %swap3A_418 = tpu.vector_load %arg4[%swap3A, %swap3A_417] {strides = array<i32>} : memref<32x256xf32, #tpu.memory_space<vmem>>, vector<1x16xf32>,
        %swap3A_419 = vector.shape_cast %swap3A_418 : vector<1x16xf32> to vector<16xf32>
        %swap3A_420 = vector.shape_cast %mul3A_415 : vector<16xf32> to vector<1x16xf32>
        tpu.vector_store %arg4[%swap3A, %swap3A_417], %swap3A_420 {strides = array<i32>} : memref<32x256xf32, #tpu.memory_space<vmem>>, vector<1x16xf32>,
        %add3A_421 = arith.addi %mul3A_24, %scan3A_405 : i32
        %get3A_422 = arith.index_cast %add3A_421 : i32 to index
        %get3A_423 = arith.constant 16 : index
        %get3A_424 = tpu.vector_load %arg4[%get3A_422, %get3A_423] {strides = array<i32>} : memref<32x256xf32, #tpu.memory_space<vmem>>, vector<1x16xf32>,
        %get3A_425 = vector.shape_cast %get3A_424 : vector<1x16xf32> to vector<16xf32>
        %mul3A_426 = arith.mulf %get3A_425, %gather3A_409 : vector<16xf32>
        %add3A_427 = arith.addi %mul3A_24, %scan3A_405 : i32
        %swap3A_428 = arith.index_cast %add3A_427 : i32 to index
        %swap3A_429 = arith.constant 16 : index
        %swap3A_430 = tpu.vector_load %arg4[%swap3A_428, %swap3A_429] {strides = array<i32>} : memref<32x256xf32, #tpu.memory_space<vmem>>, vector<1x16xf32>,
        %swap3A_431 = vector.shape_cast %swap3A_430 : vector<1x16xf32> to vector<16xf32>
        %swap3A_432 = vector.shape_cast %mul3A_426 : vector<16xf32> to vector<1x16xf32>
        tpu.vector_store %arg4[%swap3A_428, %swap3A_429], %swap3A_432 {strides = array<i32>} : memref<32x256xf32, #tpu.memory_space<vmem>>, vector<1x16xf32>,
        %add3A_433 = arith.addi %mul3A_24, %scan3A_405 : i32
        %get3A_434 = arith.index_cast %add3A_433 : i32 to index
        %get3A_435 = arith.constant 32 : index
        %get3A_436 = tpu.vector_load %arg4[%get3A_434, %get3A_435] {strides = array<i32>} : memref<32x256xf32, #tpu.memory_space<vmem>>, vector<1x16xf32>,
        %get3A_437 = vector.shape_cast %get3A_436 : vector<1x16xf32> to vector<16xf32>
        %mul3A_438 = arith.mulf %get3A_437, %gather3A_409 : vector<16xf32>
        %add3A_439 = arith.addi %mul3A_24, %scan3A_405 : i32
        %swap3A_440 = arith.index_cast %add3A_439 : i32 to index
        %swap3A_441 = arith.constant 32 : index
        %swap3A_442 = tpu.vector_load %arg4[%swap3A_440, %swap3A_441] {strides = array<i32>} : memref<32x256xf32, #tpu.memory_space<vmem>>, vector<1x16xf32>,
        %swap3A_443 = vector.shape_cast %swap3A_442 : vector<1x16xf32> to vector<16xf32>
        %swap3A_444 = vector.shape_cast %mul3A_438 : vector<16xf32> to vector<1x16xf32>
        tpu.vector_store %arg4[%swap3A_440, %swap3A_441], %swap3A_444 {strides = array<i32>} : memref<32x256xf32, #tpu.memory_space<vmem>>, vector<1x16xf32>,
        %add3A_445 = arith.addi %mul3A_24, %scan3A_405 : i32
        %get3A_446 = arith.index_cast %add3A_445 : i32 to index
        %get3A_447 = arith.constant 48 : index
        %get3A_448 = tpu.vector_load %arg4[%get3A_446, %get3A_447] {strides = array<i32>} : memref<32x256xf32, #tpu.memory_space<vmem>>, vector<1x16xf32>,
        %get3A_449 = vector.shape_cast %get3A_448 : vector<1x16xf32> to vector<16xf32>
        %mul3A_450 = arith.mulf %get3A_449, %gather3A_409 : vector<16xf32>
        %add3A_451 = arith.addi %mul3A_24, %scan3A_405 : i32
        %swap3A_452 = arith.index_cast %add3A_451 : i32 to index
        %swap3A_453 = arith.constant 48 : index
        %swap3A_454 = tpu.vector_load %arg4[%swap3A_452, %swap3A_453] {strides = array<i32>} : memref<32x256xf32, #tpu.memory_space<vmem>>, vector<1x16xf32>,
        %swap3A_455 = vector.shape_cast %swap3A_454 : vector<1x16xf32> to vector<16xf32>
        %swap3A_456 = vector.shape_cast %mul3A_450 : vector<16xf32> to vector<1x16xf32>
        tpu.vector_store %arg4[%swap3A_452, %swap3A_453], %swap3A_456 {strides = array<i32>} : memref<32x256xf32, #tpu.memory_space<vmem>>, vector<1x16xf32>,
        %add3A_457 = arith.addi %mul3A_24, %scan3A_405 : i32
        %get3A_458 = arith.index_cast %add3A_457 : i32 to index
        %get3A_459 = arith.constant 64 : index
        %get3A_460 = tpu.vector_load %arg4[%get3A_458, %get3A_459] {strides = array<i32>} : memref<32x256xf32, #tpu.memory_space<vmem>>, vector<1x16xf32>,
        %get3A_461 = vector.shape_cast %get3A_460 : vector<1x16xf32> to vector<16xf32>
        %mul3A_462 = arith.mulf %get3A_461, %gather3A_409 : vector<16xf32>
        %add3A_463 = arith.addi %mul3A_24, %scan3A_405 : i32
        %swap3A_464 = arith.index_cast %add3A_463 : i32 to index
        %swap3A_465 = arith.constant 64 : index
        %swap3A_466 = tpu.vector_load %arg4[%swap3A_464, %swap3A_465] {strides = array<i32>} : memref<32x256xf32, #tpu.memory_space<vmem>>, vector<1x16xf32>,
        %swap3A_467 = vector.shape_cast %swap3A_466 : vector<1x16xf32> to vector<16xf32>
        %swap3A_468 = vector.shape_cast %mul3A_462 : vector<16xf32> to vector<1x16xf32>
        tpu.vector_store %arg4[%swap3A_464, %swap3A_465], %swap3A_468 {strides = array<i32>} : memref<32x256xf32, #tpu.memory_space<vmem>>, vector<1x16xf32>,
        %add3A_469 = arith.addi %mul3A_24, %scan3A_405 : i32
        %get3A_470 = arith.index_cast %add3A_469 : i32 to index
        %get3A_471 = arith.constant 80 : index
        %get3A_472 = tpu.vector_load %arg4[%get3A_470, %get3A_471] {strides = array<i32>} : memref<32x256xf32, #tpu.memory_space<vmem>>, vector<1x16xf32>,
        %get3A_473 = vector.shape_cast %get3A_472 : vector<1x16xf32> to vector<16xf32>
        %mul3A_474 = arith.mulf %get3A_473, %gather3A_409 : vector<16xf32>
        %add3A_475 = arith.addi %mul3A_24, %scan3A_405 : i32
        %swap3A_476 = arith.index_cast %add3A_475 : i32 to index
        %swap3A_477 = arith.constant 80 : index
        %swap3A_478 = tpu.vector_load %arg4[%swap3A_476, %swap3A_477] {strides = array<i32>} : memref<32x256xf32, #tpu.memory_space<vmem>>, vector<1x16xf32>,
        %swap3A_479 = vector.shape_cast %swap3A_478 : vector<1x16xf32> to vector<16xf32>
        %swap3A_480 = vector.shape_cast %mul3A_474 : vector<16xf32> to vector<1x16xf32>
        tpu.vector_store %arg4[%swap3A_476, %swap3A_477], %swap3A_480 {strides = array<i32>} : memref<32x256xf32, #tpu.memory_space<vmem>>, vector<1x16xf32>,
        %add3A_481 = arith.addi %mul3A_24, %scan3A_405 : i32
        %get3A_482 = arith.index_cast %add3A_481 : i32 to index
        %get3A_483 = arith.constant 96 : index
        %get3A_484 = tpu.vector_load %arg4[%get3A_482, %get3A_483] {strides = array<i32>} : memref<32x256xf32, #tpu.memory_space<vmem>>, vector<1x16xf32>,
        %get3A_485 = vector.shape_cast %get3A_484 : vector<1x16xf32> to vector<16xf32>
        %mul3A_486 = arith.mulf %get3A_485, %gather3A_409 : vector<16xf32>
        %add3A_487 = arith.addi %mul3A_24, %scan3A_405 : i32
        %swap3A_488 = arith.index_cast %add3A_487 : i32 to index
        %swap3A_489 = arith.constant 96 : index
        %swap3A_490 = tpu.vector_load %arg4[%swap3A_488, %swap3A_489] {strides = array<i32>} : memref<32x256xf32, #tpu.memory_space<vmem>>, vector<1x16xf32>,
        %swap3A_491 = vector.shape_cast %swap3A_490 : vector<1x16xf32> to vector<16xf32>
        %swap3A_492 = vector.shape_cast %mul3A_486 : vector<16xf32> to vector<1x16xf32>
        tpu.vector_store %arg4[%swap3A_488, %swap3A_489], %swap3A_492 {strides = array<i32>} : memref<32x256xf32, #tpu.memory_space<vmem>>, vector<1x16xf32>,
        %add3A_493 = arith.addi %mul3A_24, %scan3A_405 : i32
        %get3A_494 = arith.index_cast %add3A_493 : i32 to index
        %get3A_495 = arith.constant 112 : index
        %get3A_496 = tpu.vector_load %arg4[%get3A_494, %get3A_495] {strides = array<i32>} : memref<32x256xf32, #tpu.memory_space<vmem>>, vector<1x16xf32>,
        %get3A_497 = vector.shape_cast %get3A_496 : vector<1x16xf32> to vector<16xf32>
        %mul3A_498 = arith.mulf %get3A_497, %gather3A_409 : vector<16xf32>
        %add3A_499 = arith.addi %mul3A_24, %scan3A_405 : i32
        %swap3A_500 = arith.index_cast %add3A_499 : i32 to index
        %swap3A_501 = arith.constant 112 : index
        %swap3A_502 = tpu.vector_load %arg4[%swap3A_500, %swap3A_501] {strides = array<i32>} : memref<32x256xf32, #tpu.memory_space<vmem>>, vector<1x16xf32>,
        %swap3A_503 = vector.shape_cast %swap3A_502 : vector<1x16xf32> to vector<16xf32>
        %swap3A_504 = vector.shape_cast %mul3A_498 : vector<16xf32> to vector<1x16xf32>
        tpu.vector_store %arg4[%swap3A_500, %swap3A_501], %swap3A_504 {strides = array<i32>} : memref<32x256xf32, #tpu.memory_space<vmem>>, vector<1x16xf32>,
        %add3A_505 = arith.addi %mul3A_24, %scan3A_405 : i32
        %get3A_506 = arith.index_cast %add3A_505 : i32 to index
        %get3A_507 = arith.constant 128 : index
        %get3A_508 = tpu.vector_load %arg4[%get3A_506, %get3A_507] {strides = array<i32>} : memref<32x256xf32, #tpu.memory_space<vmem>>, vector<1x16xf32>,
        %get3A_509 = vector.shape_cast %get3A_508 : vector<1x16xf32> to vector<16xf32>
        %mul3A_510 = arith.mulf %get3A_509, %gather3A_409 : vector<16xf32>
        %add3A_511 = arith.addi %mul3A_24, %scan3A_405 : i32
        %swap3A_512 = arith.index_cast %add3A_511 : i32 to index
        %swap3A_513 = arith.constant 128 : index
        %swap3A_514 = tpu.vector_load %arg4[%swap3A_512, %swap3A_513] {strides = array<i32>} : memref<32x256xf32, #tpu.memory_space<vmem>>, vector<1x16xf32>,
        %swap3A_515 = vector.shape_cast %swap3A_514 : vector<1x16xf32> to vector<16xf32>
        %swap3A_516 = vector.shape_cast %mul3A_510 : vector<16xf32> to vector<1x16xf32>
        tpu.vector_store %arg4[%swap3A_512, %swap3A_513], %swap3A_516 {strides = array<i32>} : memref<32x256xf32, #tpu.memory_space<vmem>>, vector<1x16xf32>,
        %add3A_517 = arith.addi %mul3A_24, %scan3A_405 : i32
        %get3A_518 = arith.index_cast %add3A_517 : i32 to index
        %get3A_519 = arith.constant 144 : index
        %get3A_520 = tpu.vector_load %arg4[%get3A_518, %get3A_519] {strides = array<i32>} : memref<32x256xf32, #tpu.memory_space<vmem>>, vector<1x16xf32>,
        %get3A_521 = vector.shape_cast %get3A_520 : vector<1x16xf32> to vector<16xf32>
        %mul3A_522 = arith.mulf %get3A_521, %gather3A_409 : vector<16xf32>
        %add3A_523 = arith.addi %mul3A_24, %scan3A_405 : i32
        %swap3A_524 = arith.index_cast %add3A_523 : i32 to index
        %swap3A_525 = arith.constant 144 : index
        %swap3A_526 = tpu.vector_load %arg4[%swap3A_524, %swap3A_525] {strides = array<i32>} : memref<32x256xf32, #tpu.memory_space<vmem>>, vector<1x16xf32>,
        %swap3A_527 = vector.shape_cast %swap3A_526 : vector<1x16xf32> to vector<16xf32>
        %swap3A_528 = vector.shape_cast %mul3A_522 : vector<16xf32> to vector<1x16xf32>
        tpu.vector_store %arg4[%swap3A_524, %swap3A_525], %swap3A_528 {strides = array<i32>} : memref<32x256xf32, #tpu.memory_space<vmem>>, vector<1x16xf32>,
        %add3A_529 = arith.addi %mul3A_24, %scan3A_405 : i32
        %get3A_530 = arith.index_cast %add3A_529 : i32 to index
        %get3A_531 = arith.constant 160 : index
        %get3A_532 = tpu.vector_load %arg4[%get3A_530, %get3A_531] {strides = array<i32>} : memref<32x256xf32, #tpu.memory_space<vmem>>, vector<1x16xf32>,
        %get3A_533 = vector.shape_cast %get3A_532 : vector<1x16xf32> to vector<16xf32>
        %mul3A_534 = arith.mulf %get3A_533, %gather3A_409 : vector<16xf32>
        %add3A_535 = arith.addi %mul3A_24, %scan3A_405 : i32
        %swap3A_536 = arith.index_cast %add3A_535 : i32 to index
        %swap3A_537 = arith.constant 160 : index
        %swap3A_538 = tpu.vector_load %arg4[%swap3A_536, %swap3A_537] {strides = array<i32>} : memref<32x256xf32, #tpu.memory_space<vmem>>, vector<1x16xf32>,
        %swap3A_539 = vector.shape_cast %swap3A_538 : vector<1x16xf32> to vector<16xf32>
        %swap3A_540 = vector.shape_cast %mul3A_534 : vector<16xf32> to vector<1x16xf32>
        tpu.vector_store %arg4[%swap3A_536, %swap3A_537], %swap3A_540 {strides = array<i32>} : memref<32x256xf32, #tpu.memory_space<vmem>>, vector<1x16xf32>,
        %add3A_541 = arith.addi %mul3A_24, %scan3A_405 : i32
        %get3A_542 = arith.index_cast %add3A_541 : i32 to index
        %get3A_543 = arith.constant 176 : index
        %get3A_544 = tpu.vector_load %arg4[%get3A_542, %get3A_543] {strides = array<i32>} : memref<32x256xf32, #tpu.memory_space<vmem>>, vector<1x16xf32>,
        %get3A_545 = vector.shape_cast %get3A_544 : vector<1x16xf32> to vector<16xf32>
        %mul3A_546 = arith.mulf %get3A_545, %gather3A_409 : vector<16xf32>
        %add3A_547 = arith.addi %mul3A_24, %scan3A_405 : i32
        %swap3A_548 = arith.index_cast %add3A_547 : i32 to index
        %swap3A_549 = arith.constant 176 : index
        %swap3A_550 = tpu.vector_load %arg4[%swap3A_548, %swap3A_549] {strides = array<i32>} : memref<32x256xf32, #tpu.memory_space<vmem>>, vector<1x16xf32>,
        %swap3A_551 = vector.shape_cast %swap3A_550 : vector<1x16xf32> to vector<16xf32>
        %swap3A_552 = vector.shape_cast %mul3A_546 : vector<16xf32> to vector<1x16xf32>
        tpu.vector_store %arg4[%swap3A_548, %swap3A_549], %swap3A_552 {strides = array<i32>} : memref<32x256xf32, #tpu.memory_space<vmem>>, vector<1x16xf32>,
        %add3A_553 = arith.addi %mul3A_24, %scan3A_405 : i32
        %get3A_554 = arith.index_cast %add3A_553 : i32 to index
        %get3A_555 = arith.constant 192 : index
        %get3A_556 = tpu.vector_load %arg4[%get3A_554, %get3A_555] {strides = array<i32>} : memref<32x256xf32, #tpu.memory_space<vmem>>, vector<1x16xf32>,
        %get3A_557 = vector.shape_cast %get3A_556 : vector<1x16xf32> to vector<16xf32>
        %mul3A_558 = arith.mulf %get3A_557, %gather3A_409 : vector<16xf32>
        %add3A_559 = arith.addi %mul3A_24, %scan3A_405 : i32
        %swap3A_560 = arith.index_cast %add3A_559 : i32 to index
        %swap3A_561 = arith.constant 192 : index
        %swap3A_562 = tpu.vector_load %arg4[%swap3A_560, %swap3A_561] {strides = array<i32>} : memref<32x256xf32, #tpu.memory_space<vmem>>, vector<1x16xf32>,
        %swap3A_563 = vector.shape_cast %swap3A_562 : vector<1x16xf32> to vector<16xf32>
        %swap3A_564 = vector.shape_cast %mul3A_558 : vector<16xf32> to vector<1x16xf32>
        tpu.vector_store %arg4[%swap3A_560, %swap3A_561], %swap3A_564 {strides = array<i32>} : memref<32x256xf32, #tpu.memory_space<vmem>>, vector<1x16xf32>,
        %add3A_565 = arith.addi %mul3A_24, %scan3A_405 : i32
        %get3A_566 = arith.index_cast %add3A_565 : i32 to index
        %get3A_567 = arith.constant 208 : index
        %get3A_568 = tpu.vector_load %arg4[%get3A_566, %get3A_567] {strides = array<i32>} : memref<32x256xf32, #tpu.memory_space<vmem>>, vector<1x16xf32>,
        %get3A_569 = vector.shape_cast %get3A_568 : vector<1x16xf32> to vector<16xf32>
        %mul3A_570 = arith.mulf %get3A_569, %gather3A_409 : vector<16xf32>
        %add3A_571 = arith.addi %mul3A_24, %scan3A_405 : i32
        %swap3A_572 = arith.index_cast %add3A_571 : i32 to index
        %swap3A_573 = arith.constant 208 : index
        %swap3A_574 = tpu.vector_load %arg4[%swap3A_572, %swap3A_573] {strides = array<i32>} : memref<32x256xf32, #tpu.memory_space<vmem>>, vector<1x16xf32>,
        %swap3A_575 = vector.shape_cast %swap3A_574 : vector<1x16xf32> to vector<16xf32>
        %swap3A_576 = vector.shape_cast %mul3A_570 : vector<16xf32> to vector<1x16xf32>
        tpu.vector_store %arg4[%swap3A_572, %swap3A_573], %swap3A_576 {strides = array<i32>} : memref<32x256xf32, #tpu.memory_space<vmem>>, vector<1x16xf32>,
        %add3A_577 = arith.addi %mul3A_24, %scan3A_405 : i32
        %get3A_578 = arith.index_cast %add3A_577 : i32 to index
        %get3A_579 = arith.constant 224 : index
        %get3A_580 = tpu.vector_load %arg4[%get3A_578, %get3A_579] {strides = array<i32>} : memref<32x256xf32, #tpu.memory_space<vmem>>, vector<1x16xf32>,
        %get3A_581 = vector.shape_cast %get3A_580 : vector<1x16xf32> to vector<16xf32>
        %mul3A_582 = arith.mulf %get3A_581, %gather3A_409 : vector<16xf32>
        %add3A_583 = arith.addi %mul3A_24, %scan3A_405 : i32
        %swap3A_584 = arith.index_cast %add3A_583 : i32 to index
        %swap3A_585 = arith.constant 224 : index
        %swap3A_586 = tpu.vector_load %arg4[%swap3A_584, %swap3A_585] {strides = array<i32>} : memref<32x256xf32, #tpu.memory_space<vmem>>, vector<1x16xf32>,
        %swap3A_587 = vector.shape_cast %swap3A_586 : vector<1x16xf32> to vector<16xf32>
        %swap3A_588 = vector.shape_cast %mul3A_582 : vector<16xf32> to vector<1x16xf32>
        tpu.vector_store %arg4[%swap3A_584, %swap3A_585], %swap3A_588 {strides = array<i32>} : memref<32x256xf32, #tpu.memory_space<vmem>>, vector<1x16xf32>,
        %add3A_589 = arith.addi %mul3A_24, %scan3A_405 : i32
        %get3A_590 = arith.index_cast %add3A_589 : i32 to index
        %get3A_591 = arith.constant 240 : index
        %get3A_592 = tpu.vector_load %arg4[%get3A_590, %get3A_591] {strides = array<i32>} : memref<32x256xf32, #tpu.memory_space<vmem>>, vector<1x16xf32>,
        %get3A_593 = vector.shape_cast %get3A_592 : vector<1x16xf32> to vector<16xf32>
        %mul3A_594 = arith.mulf %get3A_593, %gather3A_409 : vector<16xf32>
        %add3A_595 = arith.addi %mul3A_24, %scan3A_405 : i32
        %swap3A_596 = arith.index_cast %add3A_595 : i32 to index
        %swap3A_597 = arith.constant 240 : index
        %swap3A_598 = tpu.vector_load %arg4[%swap3A_596, %swap3A_597] {strides = array<i32>} : memref<32x256xf32, #tpu.memory_space<vmem>>, vector<1x16xf32>,
        %swap3A_599 = vector.shape_cast %swap3A_598 : vector<1x16xf32> to vector<16xf32>
        %swap3A_600 = vector.shape_cast %mul3A_594 : vector<16xf32> to vector<1x16xf32>
        tpu.vector_store %arg4[%swap3A_596, %swap3A_597], %swap3A_600 {strides = array<i32>} : memref<32x256xf32, #tpu.memory_space<vmem>>, vector<1x16xf32>,
      }
      %scan3A_404 = arith.constant 16 : i32
    }
    %scan3A_13 = arith.constant 2 : i32
    %dma_start3A_14 = arith.constant 0 : i32
    %dma_start3A_15 = tpu.memref_slice %arg3[%mul3A_2, %dma_start3A_14] : memref<1024x256xf32, #tpu.memory_space<hbm>> -> memref<32x256xf32, #tpu.memory_space<hbm>>
    %dma_start3A_16 = arith.constant 0 : i32
    %dma_start3A_17 = tpu.memref_slice %arg3[%mul3A_2, %dma_start3A_16] : memref<1024x256xf32, #tpu.memory_space<hbm>> -> memref<32x256xf32, #tpu.memory_space<hbm>>
    tpu.enqueue_dma source(%arg4 : memref<32x256xf32, #tpu.memory_space<vmem>>) target(%dma_start3A_17 : memref<32x256xf32, #tpu.memory_space<hbm>>) target_semaphore(%arg7 : memref<!tpu.dma_semaphore, #tpu.memory_space<semaphore_mem>>)
    %dma_wait3A_18 = arith.constant 0 : i32
    %dma_wait3A_19 = tpu.memref_slice %arg3[%mul3A_2, %dma_wait3A_18] : memref<1024x256xf32, #tpu.memory_space<hbm>> -> memref<32x256xf32, #tpu.memory_space<hbm>>
    %dma_wait3A_20 = arith.constant 0 : i32
    %dma_wait3A_21 = tpu.memref_slice %arg3[%mul3A_2, %dma_wait3A_20] : memref<1024x256xf32, #tpu.memory_space<hbm>> -> memref<32x256xf32, #tpu.memory_space<hbm>>
    tpu.wait_dma2 semaphore(%arg7 : memref<!tpu.dma_semaphore, #tpu.memory_space<semaphore_mem>>) src(%arg4 : memref<32x256xf32, #tpu.memory_space<vmem>>) dst(%dma_wait3A_21 : memref<32x256xf32, #tpu.memory_space<hbm>>)
    return
  }
}

</mosaic_0001>

<sc_bundles>
// kernel: kernel.3.cloned.1.call-start
scs
__scs_entry_jumppad:
0x0: {  	(pc) =	sbr.rel $0x88, $3  }
0x1: {  	(tag) =	ssettag $0x0;
	lr =	simm.s32 $0x1  }
0x2: {  	[smem:$0x3FA0] =	sst lr;
	_ =	strace $0xD0000000  }
0x3: {  	_ = 	snop  }
0x4: {  	_ = 	snop  }
0x5: {  	_ = 	snop  }
0x6: {  	_ = 	snop  }
0x7: {  	_ = 	snop  }
__scs_overlays_trampoline_lowered:
0x8: {  	[smem:$0x3FAF] =	sst s0  }
0x9: {  	[smem:$0x3FB0] =	sst s1  }
0xa: {  	[smem:$0x3FB1] =	sst s2  }
0xb: {  	[smem:$0x3FB2] =	sst s3  }
0xc: {  	[smem:$0x3FB3] =	sst s4  }
0xd: {  	[smem:$0x3FB4] =	sst s5  }
0xe: {  	[smem:$0x3FB5] =	sst s6  }
0xf: {  	[smem:$0x3FB6] =	sst s7  }
0x10: {  	[smem:$0x3FB7] =	sst s8  }
0x11: {  	[smem:$0x3FB8] =	sst s9;
	s0 =	simm.s32 @!p0 $0x0  }
0x12: {  	s1 =	sld [smem:$0x3F9E];
	s0 =	simm.s32 @p0 $0x1  }
0x13: {  	[smem:$0x3FB9] =	sst s0;
	s0 =	simm.s32 @!p1 $0x0  }
0x14: {  	s2 =	sld [smem:$0x3F9D];
	s0 =	simm.s32 @p1 $0x1  }
0x15: {  	[smem:$0x3FBA] =	sst s0;
	s0 =	simm.s32 @!p2 $0x0  }
0x16: {  	s3 =	sld [smem:$0x3FDB];
	s0 =	simm.s32 @p2 $0x1  }
0x17: {  	s4 =	simm.s32 $0x1BF5;
	[smem:$0x3FBC] =	sst s0  }
0x18: {  	s0 =	sld [smem:$0x3F9F];
	_ =	swait.ge [sflag:s4], $0x0  }
0x19: {  	s7 =	sld [smem:$0x3FA0]  }
0x1a: {  	s8 =	sadd.s32 $0xFFFFE003, lr  }
0x1b: {  	s9 =	sadd.s32 $0xFFFFFEF7, lr;
	s5 =	simm.s32 $0xFFFFFFFF;
	p2 =	slt.u32 s8, $0xFFFFF086  }
0x1c: {  	p1 =	slt.u32 s9, $0xF7A;
	s5 =	simm.s32 @!p2 $0x0  }
0x1d: {  	s5 =	simm.s32 @p1 $0x1;
	p0 =	seq.s32 s7, s2  }
0x1e: {  	s7 =	smul.u32 @!p0 $0xF7A, s2;
	p2 =	seq.s32 @!p0 s5, $0x0  }
0x1f: {  	s9 =	smul.u32 $0xF7A, s1;
	s8 =	simm.s32 @!p0 $0x1BF5;
	p2 =	por !p2, p0  }
0x20: {  	[sflag:s8] =	ssyncset.s32 @!p0 $0xFFFFF086;
	s6 =	sadd.s32 @!p0 s3, s7;
	s7 =	simm.s32 @!p0 $0x108  }
0x21: {  	s3 =	sadd.s32 s3, s9;
	s6 =	sadd.s32 @!p0 $0x88, s6;
	s7 =	simm.s32 @p2 $0x1082  }
0x22: {  	[simem:s7], [sflag:s8] =	dma.local @!p0 [hbm:s6], $0xF7A  }
0x23: {  	s9 =	sor.u32 $0xD0000000, s2;
	s6 =	simm.s32 $0x108;
	_ =	swait.ge @!p0 [sflag:s8], $0x0  }
0x24: {  	s3 =	sadd.s32 $0x88, s3;
	s6 =	simm.s32 @!p1 $0x1082;
	[sflag:s4] =	ssyncset.s32 $0xFFFFF086  }
0x25: {  	[simem:s6], [sflag:s4] =	dma.local [hbm:s3], $0xF7A  }
0x26: {  	[smem:$0x3FA0] =	sst s1;
	(tag) =	ssettag s2;
	_ =	strace s9  }
0x27: {  	s1 =	sld [smem:$0x3FB0]  }
0x28: {  	s2 =	sld [smem:$0x3FB1]  }
0x29: {  	s4 =	sld [smem:$0x3FB3]  }
0x2a: {  	p0 =	seq.s32 s5, $0x0;
	s5 =	sld [smem:$0x3FB4]  }
0x2b: {  	s6 =	sld [smem:$0x3FB5]  }
0x2c: {  	s7 =	sld [smem:$0x3FB6]  }
0x2d: {  	s3 =	simm.s32 $0x108;
	s8 =	sld [smem:$0x3FB7]  }
0x2e: {  	s3 =	simm.s32 @!p0 $0x1082;
	s9 =	sld [smem:$0x3FB8]  }
0x2f: {  	lr =	sadd.s32 s0, s3;
	s0 =	sld [smem:$0x3FAF]  }
0x30: {  	s3 =	sld [smem:$0x3FB2]  }
0x31: {  	[smem:$0x3FBB] =	sst s10  }
0x32: {  	s10 =	sld [smem:$0x3FB9];
	_ =	sdelay $0x3  }
0x33: {  	p0 =	seq.s32 s10, $0x1;
	s10 =	sld [smem:$0x3FBB];
	_ =	sdelay $0x3  }
0x34: {  	[smem:$0x3FBB] =	sst s10  }
0x35: {  	s10 =	sld [smem:$0x3FBA];
	_ =	sdelay $0x3  }
0x36: {  	p1 =	seq.s32 s10, $0x1;
	s10 =	sld [smem:$0x3FBB];
	_ =	sdelay $0x3  }
0x37: {  	[smem:$0x3FBB] =	sst s10  }
0x38: {  	s10 =	sld [smem:$0x3FBC]  }
0x39: {  	_ = 	snop;
	(pc) =	sbr.ind lr, $3  }
0x3a: {  	_ = 	snop  }
0x3b: {  	_ = 	snop  }
0x3c: {  	p2 =	seq.s32 s10, $0x1;
	s10 =	sld [smem:$0x3FBB]  }
0x3d: {  	_ =	shalt  }
0x3e: {  	_ =	shalt  }
0x3f: {  	_ =	shalt  }
0x40: {  	_ =	shalt  }
0x41: {  	_ =	shalt  }
0x42: {  	_ =	shalt  }
0x43: {  	_ =	shalt  }
0x44: {  	_ =	shalt  }
0x45: {  	_ =	shalt  }
0x46: {  	_ =	shalt  }
0x47: {  	_ =	shalt  }
0x48: {  	_ =	shalt  }
0x49: {  	_ =	shalt  }
0x4a: {  	_ =	shalt  }
0x4b: {  	_ =	shalt  }
0x4c: {  	_ =	shalt  }
0x4d: {  	_ =	shalt  }
0x4e: {  	_ =	shalt  }
0x4f: {  	_ =	shalt  }
0x50: {  	_ =	shalt  }
0x51: {  	_ =	shalt  }
0x52: {  	_ =	shalt  }
0x53: {  	_ =	shalt  }
0x54: {  	_ =	shalt  }
0x55: {  	_ =	shalt  }
0x56: {  	_ =	shalt  }
0x57: {  	_ =	shalt  }
0x58: {  	_ =	shalt  }
0x59: {  	_ =	shalt  }
0x5a: {  	_ =	shalt  }
0x5b: {  	_ =	shalt  }
0x5c: {  	_ =	shalt  }
0x5d: {  	_ =	shalt  }
0x5e: {  	_ =	shalt  }
0x5f: {  	_ =	shalt  }
0x60: {  	_ =	shalt  }
0x61: {  	_ =	shalt  }
0x62: {  	_ =	shalt  }
0x63: {  	_ =	shalt  }
0x64: {  	_ =	shalt  }
0x65: {  	_ =	shalt  }
0x66: {  	_ =	shalt  }
0x67: {  	_ =	shalt  }
0x68: {  	_ =	shalt  }
0x69: {  	_ =	shalt  }
0x6a: {  	_ =	shalt  }
0x6b: {  	_ =	shalt  }
0x6c: {  	_ =	shalt  }
0x6d: {  	_ =	shalt  }
0x6e: {  	_ =	shalt  }
0x6f: {  	_ =	shalt  }
0x70: {  	_ =	shalt  }
0x71: {  	_ =	shalt  }
0x72: {  	_ =	shalt  }
0x73: {  	_ =	shalt  }
0x74: {  	_ =	shalt  }
0x75: {  	_ =	shalt  }
0x76: {  	_ =	shalt  }
0x77: {  	_ =	shalt  }
0x78: {  	_ =	shalt  }
0x79: {  	_ =	shalt  }
0x7a: {  	_ =	shalt  }
0x7b: {  	_ =	shalt  }
0x7c: {  	_ =	shalt  }
0x7d: {  	_ =	shalt  }
0x7e: {  	_ =	shalt  }
0x7f: {  	_ =	shalt  }
0x80: {  	_ =	shalt  }
0x81: {  	_ =	shalt  }
0x82: {  	_ =	shalt  }
0x83: {  	_ =	shalt  }
0x84: {  	_ =	shalt  }
0x85: {  	_ =	shalt  }
0x86: {  	_ =	shalt  }
0x87: {  	_ =	shalt  }
.Lfunc_end0:
.L_simem_size_0:
called_computation_lowered:
.L_overlay_start_0:
0x88: {  	s2 =	sld [smem:$0x3FD9]  }
0x89: {  	s3 =	sld [smem:$0x3FFE];
	_ =	sdelay $0x1  }
0x8a: {  	s1 =	srdreg.scid  }
0x8b: {  	s0 =	sand.u32 $0x1, s1  }
0x8c: {  	s17 =	sshll.u32 s0, $0xA;
	s2 =	sadd.s32 s3, s2  }
0x8d: {  	s2 =	sadd.s32 s2, s17  }
0x8e: {  	[smem:$0x3FC7] =	sst s2  }
0x8f: {  	_ = 	snop  }
0x90: {  	s2 =	sld [smem:$0x3FD0];
	(tm) =	ssettm $0x1  }
0x91: {  	s18 =	sld [smem:$0x3FFB];
	_ =	sdelay $0x3  }
0x92: {  	_ =	strace s18  }
0x93: {  	s3 =	sld [smem:$0x3FFC];
	_ =	sdelay $0x3  }
0x94: {  	_ =	strace s3  }
0x95: {  	s3 =	sld [smem:$0x3FFD];
	_ =	sdelay $0x3  }
0x96: {  	_ =	strace s3  }
0x97: {  	_ =	strace $0x8FFFFFFF  }
0x98: {  	s19 =	sld [smem:$0x3FDB];
	_ =	sdelay $0x1  }
0x99: {  	s4 =	simm.s32 $_scs_section_size  }
0x9a: {  	s5 =	simm.s32 $_size__tile_overlayer_lowered;
	s6 =	simm.s32 $_tile_overlayer_lowered  }
0x9b: {  	s22 =	simm.s32 $0x1BFF;
	s21 =	sshll.u32 s6, $0x1;
	s3 =	sadd.s32 s4, s19  }
0x9c: {  	s7 =	simm.s32 $0x0;
	s20 =	sshll.u32 s5, $0x1;
	s5 =	sadd.s32 s21, s3  }
0x9d: {  	[timem:s7], [sflag:s22] =	dma.local [hbm:s5], s20  }
0x9e: {  	_ =	swait.ge [sflag:s22], s20  }
0x9f: {  	s4 =	ssub.s32 $0x0, s20;
	[sflag:s22] =	ssyncset.done $0x0  }
0xa0: {  	[sflag:s22] =	ssyncadd.s32 s4;
	_ =	sdelay $0x1  }
0xa1: {  	s23 =	simm.s32 $0x1B8B  }
0xa2: {  	_ =	swait.ge [sflag:s23], $0x1  }
0xa3: {  	[sflag:s23] =	ssyncset.done $0x0  }
0xa4: {  	s25 =	simm.s32 $0x1B8E;
	s24 =	sld [smem:$0x3FFE];
	[sflag:s23] =	ssyncadd.s32 $0xFFFFFFFF  }
0xa5: {  	s26 =	simm.s32 $execute0_lowered;
	[smem:$0x3FD2] =	sst s25  }
0xa6: {  	s5 =	sshll.u32 s26, $0x1;
	_ =	strace $0x80000046;
	[dreg:$0x1] =	wrdreg $0xFFFFFFFF  }
0xa7: {  	s28 =	simm.s32 $_size_execute0_lowered;
	s3 =	sadd.s32 s3, s5;
	[dreg:$0x0] =	wrdreg $0x0  }
0xa8: {  	s5 =	sshll.u32 s28, $0x1;
	[dreg:$0x2] =	wrdreg s3  }
0xa9: {  	[dreg:$0x3] =	wrdreg s5  }
0xaa: {  	[dreg:$0x4] =	wrdreg $0xC0  }
0xab: {  	_ =	task [dreg:s7], $0x5FFFF  }
0xac: {  	[dreg:$0x1] =	wrdreg $0xFFFFFFFF  }
0xad: {  	[dreg:$0x0] =	wrdreg $0x60  }
0xae: {  	[dreg:$0x2] =	wrdreg s24  }
0xaf: {  	[dreg:$0x3] =	wrdreg s2  }
0xb0: {  	[dreg:$0x4] =	wrdreg $0x9  }
0xb1: {  	_ =	task.clear_ibuf [dreg:s7], $0x5FFFF;
	_ =	strace $0x90000046  }
0xb2: {  	s29 =	simm.s32 $0x9;
	_ =	strace $0x80000048  }
0xb3: {  	_ =	swait.ge [sflag:s29], $0x1  }
0xb4: {  	[sflag:s29] =	ssyncadd.s32 $0xFFFFFFFF  }
0xb5: {  	_ =	strace $0x90000048  }
0xb6: {  	_ =	sfence  }
0xb7: {  	s30 =	sld [smem:$0x0];
	_ =	sdelay $0x2  }
0xb8: {  	s31 =	sshll.u32 s1, $0xD;
	s1 =	sshrl.u32 s1, $0x2  }
0xb9: {  	s3 =	sand.u32 $0x4000, s31;
	s1 =	sadd.s32 s1, s30  }
0xba: {  	s0 =	sor.u32 s3, s0;
	s1 =	sshll.u32 s1, $0x11  }
0xbb: {  	s0 =	sor.u32 s1, s0  }
0xbc: {  	s0 =	sadd.s32 $0x8F2B, s0  }
0xbd: {  	[sflag:s0] =	ssyncadd.remote.s32 $0x1  }
0xbe: {  	_ =	sfence.sel $0xFFFF  }
0xbf: {  	[dreg:$0x0] =	wrdreg $0xFFFFFFFF;
	(pc) =	sbr.abs _section_cstart, $3  }
0xc0: {  	[dreg:$0x1] =	wrdreg $0xFFFFFFFF  }
0xc1: {  	_ =	task.clear_ibuf [dreg:s7], $0x2FFFF;
	_ =	strace $0x9FFFFFFF  }
0xc2: {  	(tm) =	ssettm $0x7FFFFFFF  }
0xc3: {  	_ =	shalt  }
tec
execute0_lowered:
.L_overlay_start_1:
0x0: {  	(tag) =	ssettag $0x1  }
0x1: {  	v0 =	vimm.s32 $0xEFCDAB89  }
0x2: {  	vm0 =	vcmask $0xB08;
	vm1 =	vcmask $0x300;
	v1 =	vimm.s32 $0x67452301  }
0x3: {  	v2 =	vimm.s32 $0xDCFE98BA;
	v3 =	vimm.s32 $0x54761032;
	vm2 =	vcmask $0x700  }
0x4: {  	vm3 =	vcmask $0x3B38;
	v4 =	vimm.s32 $0xFEDCBA98;
	v5 =	vimm.s32 $0x76543210  }
0x5: {  	v0 =	vunpack.c.l.s4.s8 v0;
	vm0 =	vmor vm1, vm0;
	vm1 =	vcmask $0x1310  }
0x6: {  	v1 =	vunpack.c.l.s4.s8 v1;
	v2 =	vunpack.c.l.s4.s8 v2;
	v3 =	vunpack.c.l.s4.s8 v3  }
0x7: {  	v4 =	vunpack.c.l.s4.s8 v4;
	vm0 =	vmor vm0, vm1;
	vm1 =	vcmask $0x1B18  }
0x8: {  	v0 =	vunpack.c.0.s8.s32 v0;
	vm0 =	vmor vm0, vm1;
	vm1 =	vcmask $0x2320  }
0x9: {  	v1 =	vunpack.c.0.s8.s32 v1;
	vm0 =	vmor vm0, vm1;
	vm1 =	vcmask $0x2B28  }
0xa: {  	v4 =	vunpack.c.0.s8.s32 v4;
	vm0 =	vmor vm0, vm1;
	vm1 =	vcmask $0x3330  }
0xb: {  	v0 =	vcombine.low v1, v0;
	v1 =	vunpack.c.0.s8.s32 v2;
	v2 =	vunpack.c.0.s8.s32 v3  }
0xc: {  	s3 =	rddreg [dreg:$0x0];
	v3 =	vimm.s32 $0x32107654;
	vm0 =	vmor vm0, vm1;
	vm1 =	vcmask $0x1710  }
0xd: {  	s4 =	rddreg [dreg:$0x1];
	v3 =	vunpack.c.l.s4.s8 v3;
	v1 =	vcombine.low v2, v1;
	v2 =	vimm.s32 $0xBA98FEDC  }
0xe: {  	s0 =	rddreg [dreg:$0x2];
	s5 =	srdreg.scid;
	vm1 =	vmor vm2, vm1;
	vm2 =	vcmask $0x2720;
	v2 =	vunpack.c.l.s4.s8 v2  }
0xf: {  	s2 =	simm.s32 $0x0;
	s1 =	stileid.u32;
	s8 =	simm.s32 $0x0;
	v5 =	vunpack.c.l.s4.s8 v5;
	v4 =	vand.u32 $0xF, v4;
	vm1 =	vmor vm1, vm2  }
0x10: {  	s5 =	sand.u32 $0x1, s5;
	s6 =	sshll.u32 s1, $0xB;
	[smem:$0x7FF] =	sst s2;
	vm2 =	vcmask $0x3730;
	v3 =	vunpack.c.0.s8.s32 v3;
	v2 =	vunpack.c.0.s8.s32 v2  }
0x11: {  	s7 =	sshll.u32 s5, $0xA;
	s5 =	ssub.s32 $0x2, s5;
	_ =	strace $0x80000047;
	vm0 =	vmor vm0, vm3;
	vm3 =	vcmask $0xF00;
	vm1 =	vmor vm1, vm2  }
0x12: {  	s6 =	sor.u32 s7, s6;
	s31 =	sshrl.u32 s5, $0x1;
	s7 =	simm.s32 $0x2;
	vm2 =	vcmask $0x2F20;
	v2 =	vcombine.low v3, v2;
	v3 =	vunpack.c.0.s8.s32 v5  }
0x13: {  	s3 =	sadd.s32 s6, s3;
	s5 =	ssub.s32 s5, s31;
	s4 =	sadd.s32 s4, s6;
	v0 =	vand.u32 $0xF, v0;
	v1 =	vand.u32 $0xF, v1;
	vm2 =	vmor vm3, vm2  }
0x14: {  	s6 =	simm.s32 $0x1;
	s3 =	sadd.s32 $0x400, s3;
	s5 =	smax.u32 s5, $0x1;
	vm3 =	vmmov $0xff;
	v2 =	vand.u32 $0xF, v2;
	v3 =	vcombine.low v4, v3  }
.LBB2_1:
0x15: {  	[tilespmem:s2], [sflag:$0x1] =	stream.linear.gather [hbm4b:s3+s2], $0x2000, $0x38;
	[tilespmem:$0x2800] =	vst v63  }
0x16: {  	_ =	swait.ge [sflag:s6], $0x2000  }
0x17: {  	[sflag:s6] =	ssyncset.done $0x0  }
0x18: {  	p1 =	por $0x1, $0x1;
	s9 =	simm.s32 $0x0;
	[sflag:s6] =	ssyncadd.s32 $0xFFFFE000  }
.LBB2_2:
0x19: {  	s9 =	sshll.u32 s9, $0x8;
	s11 =	simm.s32 $0x0  }
0x1a: {  	s10 =	sand.u32 $0x1800, s9;
	s11 =	sand.u32 $0x380, s11  }
0x1b: {  	s11 =	sor.u32 s11, s10  }
0x1c: {  	v4 =	vld [tilespmem:s11+$0x0]  }
0x1d: {  	v5 =	vld [tilespmem:s11+$0x10];
	_ =	sdelay $0x1  }
0x1e: {  	v6 =	vld [tilespmem:s11+$0x20];
	_ =	sdelay $0x1  }
0x1f: {  	v7 =	vld [tilespmem:s11+$0x30]  }
0x20: {  	v4 =	vmul.f32 v4, v4;
	v5 =	vmul.f32 v5, v5  }
0x21: {  	v8 =	vld [tilespmem:s11+$0x40]  }
0x22: {  	v4 =	vadd.f32 v5, v4;
	v5 =	vmul.f32 v6, v6  }
0x23: {  	v53 =	vld [tilespmem:s11+$0x50]  }
0x24: {  	v4 =	vadd.f32 v5, v4;
	v5 =	vmul.f32 v7, v7  }
0x25: {  	v54 =	vld [tilespmem:s11+$0x60]  }
0x26: {  	v4 =	vadd.f32 v5, v4;
	v5 =	vmul.f32 v8, v8  }
0x27: {  	v55 =	vld [tilespmem:s11+$0x70]  }
0x28: {  	v4 =	vadd.f32 v5, v4;
	v5 =	vmul.f32 v53, v53  }
0x29: {  	v56 =	vld [tilespmem:s11+$0x400]  }
0x2a: {  	v4 =	vadd.f32 v5, v4;
	v5 =	vmul.f32 v54, v54  }
0x2b: {  	v57 =	vld [tilespmem:s11+$0x410]  }
0x2c: {  	v4 =	vadd.f32 v5, v4;
	v5 =	vmul.f32 v55, v55  }
0x2d: {  	v58 =	vld [tilespmem:s11+$0x420]  }
0x2e: {  	v4 =	vadd.f32 v5, v4;
	v5 =	vmul.f32 v56, v56  }
0x2f: {  	v59 =	vld [tilespmem:s11+$0x430]  }
0x30: {  	v4 =	vadd.f32 v5, v4;
	v5 =	vmul.f32 v57, v57  }
0x31: {  	v60 =	vld [tilespmem:s11+$0x440]  }
0x32: {  	v4 =	vadd.f32 v5, v4;
	v5 =	vmul.f32 v58, v58  }
0x33: {  	v61 =	vld [tilespmem:s11+$0x450]  }
0x34: {  	v4 =	vadd.f32 v5, v4;
	v5 =	vmul.f32 v59, v59  }
0x35: {  	v62 =	vld [tilespmem:s11+$0x460]  }
0x36: {  	v4 =	vadd.f32 v5, v4;
	v5 =	vmul.f32 v60, v60  }
0x37: {  	v63 =	vld [tilespmem:s11+$0x470]  }
0x38: {  	v4 =	vadd.f32 v5, v4;
	v5 =	vmul.f32 v61, v61;
	_ =	sdelay $0x1  }
0x39: {  	v4 =	vadd.f32 v5, v4;
	v5 =	vmul.f32 v62, v62;
	_ =	sdelay $0x1  }
0x3a: {  	v4 =	vadd.f32 v5, v4;
	v5 =	vmul.f32 v63, v63;
	_ =	sdelay $0x1  }
0x3b: {  	s12 =	simm.s32 $0x80;
	s13 =	sadd.s32 $0x100, s9;
	v4 =	vadd.f32 v5, v4  }
0x3c: {  	s12 =	sand.u32 $0x380, s12;
	s14 =	sand.u32 $0x1800, s13;
	s11 =	simm.s32 $0x2000  }
0x3d: {  	p0 =	por p1, p1;
	s12 =	sor.u32 s12, s14;
	s14 =	simm.s32 $0x100;
	[tilespmem:s11+$0x0] =	vst v4  }
.LBB2_3:
0x3e: {  	p1 =	sne.s32 s14, $0x780;
	v4 =	vld [tilespmem:s12+$0x0]  }
0x3f: {  	v5 =	vld [tilespmem:s12+$0x10];
	_ =	sdelay $0x1  }
0x40: {  	v6 =	vld [tilespmem:s12+$0x20];
	_ =	sdelay $0x1  }
0x41: {  	v7 =	vld [tilespmem:s12+$0x30]  }
0x42: {  	v4 =	vmul.f32 v4, v4;
	v5 =	vmul.f32 v5, v5  }
0x43: {  	v8 =	vld [tilespmem:s12+$0x40]  }
0x44: {  	v4 =	vadd.f32 v5, v4;
	v5 =	vmul.f32 v6, v6  }
0x45: {  	v6 =	vld [tilespmem:s12+$0x50]  }
0x46: {  	v4 =	vadd.f32 v5, v4;
	v5 =	vmul.f32 v7, v7  }
0x47: {  	v7 =	vld [tilespmem:s12+$0x60]  }
0x48: {  	v4 =	vadd.f32 v5, v4;
	v5 =	vmul.f32 v8, v8  }
0x49: {  	v8 =	vld [tilespmem:s12+$0x70]  }
0x4a: {  	v4 =	vadd.f32 v5, v4;
	v5 =	vmul.f32 v6, v6  }
0x4b: {  	v6 =	vld [tilespmem:s12+$0x400]  }
0x4c: {  	v4 =	vadd.f32 v5, v4;
	v5 =	vmul.f32 v7, v7  }
0x4d: {  	v7 =	vld [tilespmem:s12+$0x410]  }
0x4e: {  	v4 =	vadd.f32 v5, v4;
	v5 =	vmul.f32 v8, v8  }
0x4f: {  	v8 =	vld [tilespmem:s12+$0x420]  }
0x50: {  	v4 =	vadd.f32 v5, v4;
	v5 =	vmul.f32 v6, v6  }
0x51: {  	v6 =	vld [tilespmem:s12+$0x430]  }
0x52: {  	v4 =	vadd.f32 v5, v4;
	v5 =	vmul.f32 v7, v7  }
0x53: {  	v7 =	vld [tilespmem:s12+$0x440]  }
0x54: {  	v4 =	vadd.f32 v5, v4;
	v5 =	vmul.f32 v8, v8  }
0x55: {  	v8 =	vld [tilespmem:s12+$0x450]  }
0x56: {  	v4 =	vadd.f32 v5, v4;
	v5 =	vmul.f32 v6, v6  }
0x57: {  	v6 =	vld [tilespmem:s12+$0x460]  }
0x58: {  	v4 =	vadd.f32 v5, v4;
	v5 =	vmul.f32 v7, v7  }
0x59: {  	v7 =	vld [tilespmem:s12+$0x470]  }
0x5a: {  	v4 =	vadd.f32 v5, v4;
	v5 =	vmul.f32 v8, v8;
	_ =	sdelay $0x1  }
0x5b: {  	v4 =	vadd.f32 v5, v4;
	v5 =	vmul.f32 v6, v6;
	_ =	sdelay $0x1  }
.Ltmp0:
0x5c: {  	v4 =	vadd.f32 v5, v4;
	v5 =	vmul.f32 v7, v7;
	(pc) =	sbr.rel @p1 .LBB2_3-.Ltmp0, $4  }
0x5d: {  	_ = 	snop  }
0x5e: {  	s13 =	sadd.s32 $0x100, s13;
	v4 =	vadd.f32 v5, v4  }
0x5f: {  	s15 =	sand.u32 $0x380, s14;
	s11 =	sadd.s32 $0x80, s11;
	s12 =	sand.u32 $0x1800, s13  }
0x60: {  	s14 =	sadd.s32 $0x80, s14;
	s12 =	sor.u32 s15, s12;
	[tilespmem:s11+$0x0] =	vst v4  }
0x61: {  	v4 =	vld [tilespmem:s12+$0x0]  }
0x62: {  	v5 =	vld [tilespmem:s12+$0x10];
	_ =	sdelay $0x1  }
0x63: {  	v6 =	vld [tilespmem:s12+$0x20];
	_ =	sdelay $0x1  }
0x64: {  	v7 =	vld [tilespmem:s12+$0x30]  }
0x65: {  	v4 =	vmul.f32 v4, v4;
	v5 =	vmul.f32 v5, v5  }
0x66: {  	v8 =	vld [tilespmem:s12+$0x40]  }
0x67: {  	v4 =	vadd.f32 v5, v4;
	v5 =	vmul.f32 v6, v6  }
0x68: {  	v6 =	vld [tilespmem:s12+$0x50]  }
0x69: {  	v4 =	vadd.f32 v5, v4;
	v5 =	vmul.f32 v7, v7  }
0x6a: {  	v7 =	vld [tilespmem:s12+$0x60]  }
0x6b: {  	v4 =	vadd.f32 v5, v4;
	v5 =	vmul.f32 v8, v8  }
0x6c: {  	v8 =	vld [tilespmem:s12+$0x70]  }
0x6d: {  	v4 =	vadd.f32 v5, v4;
	v5 =	vmul.f32 v6, v6  }
0x6e: {  	v6 =	vld [tilespmem:s12+$0x400]  }
0x6f: {  	v4 =	vadd.f32 v5, v4;
	v5 =	vmul.f32 v7, v7  }
0x70: {  	v7 =	vld [tilespmem:s12+$0x410]  }
0x71: {  	v4 =	vadd.f32 v5, v4;
	v5 =	vmul.f32 v8, v8  }
0x72: {  	v8 =	vld [tilespmem:s12+$0x420]  }
0x73: {  	v4 =	vadd.f32 v5, v4;
	v5 =	vmul.f32 v6, v6  }
0x74: {  	v6 =	vld [tilespmem:s12+$0x430]  }
0x75: {  	v4 =	vadd.f32 v5, v4;
	v5 =	vmul.f32 v7, v7  }
0x76: {  	v7 =	vld [tilespmem:s12+$0x440]  }
0x77: {  	v4 =	vadd.f32 v5, v4;
	v5 =	vmul.f32 v8, v8  }
0x78: {  	v8 =	vld [tilespmem:s12+$0x450]  }
0x79: {  	v4 =	vadd.f32 v5, v4;
	v5 =	vmul.f32 v6, v6  }
0x7a: {  	v6 =	vld [tilespmem:s12+$0x460]  }
0x7b: {  	v4 =	vadd.f32 v5, v4;
	v5 =	vmul.f32 v7, v7  }
0x7c: {  	v7 =	vld [tilespmem:s12+$0x470]  }
0x7d: {  	v4 =	vadd.f32 v5, v4;
	v5 =	vmul.f32 v8, v8;
	_ =	sdelay $0x1  }
0x7e: {  	v4 =	vadd.f32 v5, v4;
	v5 =	vmul.f32 v6, v6;
	_ =	sdelay $0x1  }
0x7f: {  	v4 =	vadd.f32 v5, v4;
	v5 =	vmul.f32 v7, v7;
	_ =	sdelay $0x1  }
0x80: {  	v4 =	vadd.f32 v5, v4  }
0x81: {  	s11 =	sadd.s32 $0x80, s11  }
0x82: {  	[tilespmem:s11+$0x0] =	vst v4  }
0x83: {  	v4 =	vld [tilespmem:$0x2000]  }
0x84: {  	v5 =	vld [tilespmem:$0x2080]  }
0x85: {  	v6 =	vld [tilespmem:$0x2100]  }
0x86: {  	v7 =	vld [tilespmem:$0x2180]  }
0x87: {  	v8 =	vld [tilespmem:$0x2200]  }
0x88: {  	v9 =	vld [tilespmem:$0x2280]  }
0x89: {  	v10 =	vld [tilespmem:$0x2300]  }
0x8a: {  	v11 =	vld [tilespmem:$0x2380]  }
0x8b: {  	v12 =	vld [tilespmem:$0x2400]  }
0x8c: {  	v14 =	vld [tilespmem:$0x2480];
	v13 =	vperm.xlane v4, v0;
	v15 =	vperm.xlane v5, v0  }
0x8d: {  	v17 =	vld [tilespmem:$0x2500];
	v16 =	vperm.xlane v7, v0;
	v18 =	vperm.xlane v6, v0  }
0x8e: {  	v19 =	vld [tilespmem:$0x2580];
	v60 =	vperm.xlane v9, v0;
	v4 =	vsel vm0, v4, v15;
	v5 =	vsel vm0, v13, v5  }
0x8f: {  	v61 =	vld [tilespmem:$0x2680];
	v6 =	vsel vm0, v6, v16;
	v7 =	vsel vm0, v18, v7;
	v15 =	vperm.xlane v8, v0  }
0x90: {  	v13 =	vld [tilespmem:$0x2600];
	v4 =	vadd.f32 v4, v5;
	v5 =	vadd.f32 v6, v7;
	v6 =	vperm.xlane v11, v0  }
0x91: {  	v8 =	vsel vm0, v8, v60;
	v7 =	vld [tilespmem:$0x2780];
	v9 =	vsel vm0, v15, v9;
	v15 =	vperm.xlane v10, v0  }
0x92: {  	v62 =	vld [tilespmem:$0x2700];
	v8 =	vadd.f32 v8, v9;
	v6 =	vsel vm0, v10, v6;
	v9 =	vperm.xlane v14, v0  }
0x93: {  	v10 =	vsel vm0, v15, v11;
	v11 =	vperm.xlane v12, v0;
	v15 =	vperm.xlane v19, v0  }
0x94: {  	v6 =	vadd.f32 v6, v10;
	v9 =	vsel vm0, v12, v9;
	v10 =	vperm.xlane v17, v0  }
0x95: {  	v11 =	vsel vm0, v11, v14;
	v12 =	vsel vm0, v17, v15;
	v14 =	vperm.xlane v13, v0  }
0x96: {  	v15 =	vperm.xlane v61, v0;
	v63 =	vperm.xlane v7, v0;
	v10 =	vsel vm0, v10, v19  }
0x97: {  	v9 =	vadd.f32 v9, v11;
	v11 =	vperm.xlane v62, v0;
	v10 =	vadd.f32 v12, v10  }
0x98: {  	v12 =	vsel vm0, v13, v15;
	v13 =	vsel vm0, v14, v61;
	v14 =	vsel vm0, v62, v63  }
0x99: {  	v15 =	vperm.xlane v5, v1;
	v7 =	vsel vm0, v11, v7;
	v11 =	vperm.xlane v4, v1  }
0x9a: {  	v12 =	vadd.f32 v12, v13;
	v13 =	vperm.xlane v6, v1;
	v7 =	vadd.f32 v14, v7  }
0x9b: {  	v4 =	vsel vm1, v4, v15;
	v5 =	vsel vm1, v11, v5;
	v11 =	vperm.xlane v8, v1  }
0x9c: {  	v14 =	vperm.xlane v10, v1;
	v8 =	vsel vm1, v8, v13;
	v13 =	vperm.xlane v9, v1  }
0x9d: {  	v15 =	vperm.xlane v7, v1;
	v6 =	vsel vm1, v11, v6;
	v11 =	vperm.xlane v12, v1  }
0x9e: {  	v4 =	vadd.f32 v4, v5;
	v5 =	vadd.f32 v8, v6;
	v6 =	vsel vm1, v9, v14  }
0x9f: {  	v8 =	vsel vm1, v13, v10;
	v9 =	vsel vm1, v12, v15;
	v7 =	vsel vm1, v11, v7  }
0xa0: {  	v6 =	vadd.f32 v6, v8;
	v7 =	vadd.f32 v9, v7  }
0xa1: {  	v8 =	vperm.xlane v4, v2;
	v9 =	vperm.xlane v5, v2  }
0xa2: {  	v10 =	vperm.xlane v6, v2;
	v11 =	vperm.xlane v7, v2  }
0xa3: {  	v5 =	vsel vm2, v8, v5  }
0xa4: {  	v4 =	vsel vm2, v4, v9;
	v7 =	vsel vm2, v10, v7;
	v6 =	vsel vm2, v6, v11  }
0xa5: {  	v4 =	vadd.f32 v4, v5;
	v5 =	vadd.f32 v6, v7;
	_ =	sdelay $0x1  }
0xa6: {  	v6 =	vperm.xlane v4, v3;
	v7 =	vperm.xlane v5, v3;
	_ =	sdelay $0x1  }
0xa7: {  	v5 =	vsel vm3, v6, v5;
	v4 =	vsel vm3, v4, v7  }
0xa8: {  	v4 =	vadd.f32 v5, v4;
	_ =	sdelay $0x1  }
0xa9: {  	v5 =	vshra.s32 v4, $0x1;
	v4 =	vmul.f32 $5.000000000e-01, v4  }
0xaa: {  	v5 =	vsub.s32 $0x5F3759DF, v5  }
0xab: {  	v6 =	vmul.f32 v5, v4;
	_ =	sdelay $0x1  }
0xac: {  	v6 =	vmul.f32 v5, v6;
	_ =	sdelay $0x1  }
0xad: {  	v6 =	vsub.f32 $1.500000000e+00, v6;
	_ =	sdelay $0x1  }
0xae: {  	v5 =	vmul.f32 v5, v6;
	_ =	sdelay $0x1  }
0xaf: {  	v6 =	vmul.f32 v5, v4;
	_ =	sdelay $0x1  }
0xb0: {  	v6 =	vmul.f32 v6, v5;
	_ =	sdelay $0x1  }
0xb1: {  	v6 =	vsub.f32 $1.500000000e+00, v6;
	_ =	sdelay $0x1  }
0xb2: {  	v5 =	vmul.f32 v6, v5;
	_ =	sdelay $0x1  }
0xb3: {  	v4 =	vmul.f32 v5, v4;
	_ =	sdelay $0x1  }
0xb4: {  	v4 =	vmul.f32 v4, v5  }
0xb5: {  	s30 =	simm.s32 $0x0  }
0xb6: {  	s31 =	sand.u32 $0x380, s30;
	v4 =	vsub.f32 $1.500000000e+00, v4  }
0xb7: {  	s10 =	sor.u32 s31, s10  }
0xb8: {  	v6 =	vld [tilespmem:s10+$0x0];
	v4 =	vmul.f32 v4, v5  }
0xb9: {  	v7 =	vld [tilespmem:s10+$0x10]  }
0xba: {  	v8 =	vld [tilespmem:s10+$0x20];
	v5 =	vmin.f32 v4, $9.999999950e+11;
	v4 =	vmov s30  }
0xbb: {  	v9 =	vld [tilespmem:s10+$0x30];
	v4 =	vperm.xlane v5, v4  }
0xbc: {  	v10 =	vld [tilespmem:s10+$0x40]  }
0xbd: {  	v11 =	vld [tilespmem:s10+$0x50];
	v6 =	vmul.f32 v6, v4  }
0xbe: {  	v12 =	vld [tilespmem:s10+$0x60];
	v7 =	vmul.f32 v7, v4  }
0xbf: {  	v13 =	vld [tilespmem:s10+$0x70];
	[tilespmem:s10+$0x0] =	vst v6;
	v6 =	vmul.f32 v8, v4  }
0xc0: {  	[tilespmem:s10+$0x10] =	vst v7;
	v7 =	vmul.f32 v9, v4;
	v9 =	vld [tilespmem:s10+$0x400]  }
0xc1: {  	[tilespmem:s10+$0x20] =	vst v6;
	v6 =	vmul.f32 v10, v4;
	v10 =	vld [tilespmem:s10+$0x410]  }
0xc2: {  	v8 =	vld [tilespmem:s10+$0x420];
	[tilespmem:s10+$0x30] =	vst v7;
	v7 =	vmul.f32 v11, v4  }
0xc3: {  	v11 =	vmul.f32 v12, v4;
	[tilespmem:s10+$0x40] =	vst v6;
	v6 =	vld [tilespmem:s10+$0x430]  }
0xc4: {  	v12 =	vmul.f32 v13, v4;
	[tilespmem:s10+$0x50] =	vst v7;
	v7 =	vld [tilespmem:s10+$0x440]  }
0xc5: {  	s9 =	sadd.s32 $0x100, s9;
	s12 =	simm.s32 $0x1;
	s11 =	simm.s32 $0x80;
	[tilespmem:s10+$0x60] =	vst v11;
	v11 =	vmul.f32 v9, v4;
	v9 =	vld [tilespmem:s10+$0x450]  }
.LBB2_5:
0xc6: {  	s13 =	sand.u32 $0x1800, s9;
	s14 =	sand.u32 $0x380, s11;
	p1 =	sne.s32 s12, $0xF;
	[tilespmem:s10+$0x70] =	vst v12;
	v10 =	vmul.f32 v10, v4;
	v12 =	vld [tilespmem:s10+$0x460]  }
0xc7: {  	s13 =	sor.u32 s14, s13;
	[tilespmem:s10+$0x400] =	vst v11;
	v8 =	vmul.f32 v8, v4;
	v11 =	vld [tilespmem:s10+$0x470]  }
0xc8: {  	v13 =	vld [tilespmem:s13+$0x0];
	[tilespmem:s10+$0x410] =	vst v10;
	v6 =	vmul.f32 v6, v4  }
0xc9: {  	v10 =	vld [tilespmem:s13+$0x10];
	[tilespmem:s10+$0x420] =	vst v8;
	v7 =	vmul.f32 v7, v4  }
0xca: {  	v8 =	vmov s12;
	v14 =	vld [tilespmem:s13+$0x20];
	[tilespmem:s10+$0x430] =	vst v6;
	v6 =	vmul.f32 v9, v4  }
0xcb: {  	v8 =	vperm.xlane v5, v8;
	v9 =	vld [tilespmem:s13+$0x30];
	[tilespmem:s10+$0x440] =	vst v7;
	v7 =	vmul.f32 v12, v4  }
0xcc: {  	v12 =	vld [tilespmem:s13+$0x40];
	[tilespmem:s10+$0x450] =	vst v6;
	v6 =	vmul.f32 v11, v4  }
0xcd: {  	v4 =	vmov v8;
	v11 =	vmul.f32 v13, v8;
	v13 =	vld [tilespmem:s13+$0x50];
	[tilespmem:s10+$0x460] =	vst v7  }
0xce: {  	v7 =	vmul.f32 v10, v4;
	v15 =	vld [tilespmem:s13+$0x60];
	[tilespmem:s10+$0x470] =	vst v6;
	s10 =	smov.u32 s13  }
0xcf: {  	[tilespmem:s10+$0x0] =	vst v11;
	v6 =	vmul.f32 v14, v4;
	v11 =	vld [tilespmem:s10+$0x70]  }
0xd0: {  	[tilespmem:s10+$0x10] =	vst v7;
	v7 =	vmul.f32 v9, v4;
	v9 =	vld [tilespmem:s10+$0x400]  }
.Ltmp1:
0xd1: {  	[tilespmem:s10+$0x20] =	vst v6;
	v6 =	vmul.f32 v12, v4;
	v10 =	vld [tilespmem:s10+$0x410];
	(pc) =	sbr.rel @p1 .LBB2_5-.Ltmp1, $4  }
0xd2: {  	[tilespmem:s10+$0x30] =	vst v7;
	v7 =	vmul.f32 v13, v4;
	v8 =	vld [tilespmem:s10+$0x420]  }
0xd3: {  	[tilespmem:s10+$0x40] =	vst v6;
	v13 =	vmul.f32 v15, v4;
	v6 =	vld [tilespmem:s10+$0x430]  }
0xd4: {  	[tilespmem:s10+$0x50] =	vst v7;
	v12 =	vmul.f32 v11, v4;
	v7 =	vld [tilespmem:s10+$0x440]  }
0xd5: {  	s11 =	sadd.s32 $0x80, s11;
	s9 =	sadd.s32 $0x100, s9;
	s12 =	sadd.s32 $0x1, s12;
	[tilespmem:s10+$0x60] =	vst v13;
	v11 =	vmul.f32 v9, v4;
	v9 =	vld [tilespmem:s10+$0x450]  }
0xd6: {  	[tilespmem:s10+$0x70] =	vst v12;
	v5 =	vmul.f32 v10, v4;
	v60 =	vld [tilespmem:s10+$0x460]  }
0xd7: {  	v61 =	vld [tilespmem:s10+$0x470];
	[tilespmem:s10+$0x400] =	vst v11;
	v8 =	vmul.f32 v8, v4  }
0xd8: {  	[tilespmem:s10+$0x410] =	vst v5;
	v5 =	vmul.f32 v6, v4  }
0xd9: {  	[tilespmem:s10+$0x420] =	vst v8;
	v62 =	vmul.f32 v7, v4  }
.Ltmp2:
0xda: {  	[tilespmem:s10+$0x430] =	vst v5;
	v5 =	vmul.f32 v9, v4;
	(pc) =	sbr.rel @p0 .LBB2_2-.Ltmp2, $4  }
0xdb: {  	[tilespmem:s10+$0x440] =	vst v62;
	v63 =	vmul.f32 v60, v4  }
0xdc: {  	v4 =	vmul.f32 v61, v4;
	[tilespmem:s10+$0x450] =	vst v5  }
0xdd: {  	[tilespmem:s10+$0x460] =	vst v63  }
0xde: {  	s9 =	simm.s32 $0x10;
	p1 =	por $0x0, $0x0;
	[tilespmem:s10+$0x470] =	vst v4  }
0xdf: {  	s8 =	sadd.s32 $0x1, s8  }
0xe0: {  	p0 =	sne.s32 s8, s5  }
.Ltmp3:
0xe1: {  	_ = 	snop;
	(pc) =	sbr.rel @p0 .LBB2_1-.Ltmp3, $4  }
0xe2: {  	[hbm4b:s4+s2] =	stream.linear.scatter [tilespmem:s2], [sflag:$0x2], $0x2000, $0x38;
	[tilespmem:$0x2800] =	vst v63  }
0xe3: {  	_ =	swait.ge [sflag:s7], $0x2000  }
0xe4: {  	[sflag:s7] =	ssyncset.done $0x0  }
0xe5: {  	[sflag:s7] =	ssyncadd.s32 $0xFFFFE000  }
0xe6: {  	_ =	sfence.sel $0x180000  }
0xe7: {  	[bflag:$0x0] =	sbarrier.arrive $0xFFFF  }
0xe8: {  	p0 =	sne.s32 s1, $0x0;
	_ =	strace $0x90000047  }
0xe9: {  	s0 =	sadd.s32 @!p0 $0x100000, s0;
	[bflag:$0x2] =	sbarrier.arrive $0xFFFF  }
0xea: {  	[sflag:s0] =	ssyncadd.tile.s32 @!p0 $0x1;
	_ =	shalt  }
.Lfunc_end2:
_tile_overlayer_lowered:
.L_overlay_start_2:
0xeb: {  	(tag) =	ssettag $0x2  }
0xec: {  	s0 =	rddreg [dreg:$0x0];
	s2 =	stileid.u32  }
0xed: {  	s1 =	rddreg [dreg:$0x1];
	p0 =	sne.s32 s2, $0x0  }
0xee: {  	s3 =	rddreg [dreg:$0x2];
	[bflag:$0x3] =	sbarrier.arrive $0xFFFF;
	s2 =	simm.s32 @!p0 $0x1C03  }
0xef: {  	[timem:s3], [sflag:s2] =	dma.local @!p0 [hbm:s0], s1  }
0xf0: {  	s0 =	simm.s32 @!p0 $0x3  }
0xf1: {  	_ =	swait.ge @!p0 [sflag:s0], s1  }
0xf2: {  	s1 =	ssub.s32 @!p0 $0x0, s1;
	[sflag:s0] =	ssyncset.done @!p0 $0x0  }
0xf3: {  	[sflag:s0] =	ssyncadd.s32 @!p0 s1  }
0xf4: {  	[bflag:$0x3] =	sbarrier.arrive $0xFFFF  }
0xf5: {  	_ =	shalt  }

</sc_bundles>
